<compile_context>
chip_gen: v7x
topology: tpu7x:2x2x1
jax: 0.10.2.dev20260603
libtpu: 0.0.44.dev20260713+nightly
codegen_flags: <defaults>
</compile_context>

<pallas_src>
import functools

import jax
import jax.numpy as jnp
from jax import lax
from jax.experimental import pallas as pl
from jax.experimental.pallas import tpu as pltpu
from jax.experimental.pallas import tpu_sc as plsc

N = 10000
E = 320000
D = 128

CHUNK = 128
NCHUNK = E // CHUNK
NWORKERS = 32
NPAD = 10240
ROWS_PER_TILE = NPAD // 16


def _sc_propagate_body(src_hbm, dst_hbm, w_hbm, feat_hbm, out_hbm,
                       src_v, dst_v, w_v, rows, acc, sem):
    cid = lax.axis_index("c")
    sid = lax.axis_index("s")
    wid = sid * 2 + cid

    zeros = jnp.zeros((16,), jnp.float32)

    def zbody(i, carry):
        for d in range(D // 16):
            rows[i, pl.ds(d * 16, 16)] = zeros
        return carry

    lax.fori_loop(0, CHUNK, zbody, 0)

    tile_base = sid * ROWS_PER_TILE
    for j in range(ROWS_PER_TILE // CHUNK):
        pltpu.sync_copy(rows, acc.at[pl.ds(tile_base + j * CHUNK, CHUNK)])

    plsc.subcore_barrier()

    trip = (NCHUNK - wid + NWORKERS - 1) // NWORKERS

    def ebody(k, carry):
        base = (wid + k * NWORKERS) * CHUNK
        pltpu.sync_copy(src_hbm.at[pl.ds(base, CHUNK)], src_v)
        pltpu.sync_copy(dst_hbm.at[pl.ds(base, CHUNK)], dst_v)
        pltpu.sync_copy(w_hbm.at[pl.ds(base, CHUNK)], w_v)
        pltpu.async_copy(feat_hbm.at[src_v], rows, sem).wait()

        def sbody(e, c2):
            widx = jnp.full((16,), e, jnp.int32)
            wv = plsc.load_gather(w_v, [widx])
            for d in range(D // 16):
                sl = pl.ds(d * 16, 16)
                rows[e, sl] = rows[e, sl] * wv
            return c2

        lax.fori_loop(0, CHUNK, sbody, 0)

        pltpu.sync_copy(rows, acc.at[dst_v], add=True)
        return carry

    lax.fori_loop(0, trip, ebody, 0)

    plsc.subcore_barrier()

    pltpu.sync_copy(acc.at[pl.ds(tile_base, ROWS_PER_TILE)],
                    out_hbm.at[cid, pl.ds(tile_base, ROWS_PER_TILE)])


_sc_propagate = functools.partial(
    pl.kernel,
    out_type=jax.ShapeDtypeStruct((2, NPAD, D), jnp.float32),
    mesh=plsc.VectorSubcoreMesh(core_axis_name="c", subcore_axis_name="s"),
    scratch_types=[
        pltpu.VMEM((CHUNK,), jnp.int32),
        pltpu.VMEM((CHUNK,), jnp.int32),
        pltpu.VMEM((CHUNK,), jnp.float32),
        pltpu.VMEM((CHUNK, D), jnp.float32),
        pltpu.VMEM_SHARED((NPAD, D), jnp.float32),
        pltpu.SemaphoreType.DMA,
    ],
    compiler_params=pltpu.CompilerParams(needs_layout_passes=False),
)(_sc_propagate_body)


ROW_BLK = 400


def _tc_finish_body(a0_ref, a1_ref, w_ref, b_ref, o_ref):
    z = jnp.dot(a0_ref[...] + a1_ref[...], w_ref[...],
                preferred_element_type=jnp.float32)
    z = z + b_ref[...]
    m = jnp.max(z, axis=1, keepdims=True)
    ez = jnp.exp(z - m)
    s = jnp.sum(ez, axis=1, keepdims=True)
    o_ref[...] = z - m - jnp.log(s)


def _tc_finish(a0, a1, W, b2d):
    return pl.pallas_call(
        _tc_finish_body,
        grid=(N // ROW_BLK,),
        in_specs=[
            pl.BlockSpec((ROW_BLK, D), lambda i: (i, 0)),
            pl.BlockSpec((ROW_BLK, D), lambda i: (i, 0)),
            pl.BlockSpec((D, D), lambda i: (0, 0)),
            pl.BlockSpec((1, D), lambda i: (0, 0)),
        ],
        out_specs=pl.BlockSpec((ROW_BLK, D), lambda i: (i, 0)),
        out_shape=jax.ShapeDtypeStruct((N, D), jnp.float32),
    )(a0, a1, W, b2d)


def kernel(edge_index, features, edge_weights, W, b):
    src = edge_index[0]
    dst = edge_index[1]
    partials = _sc_propagate(src, dst, edge_weights, features)
    return _tc_finish(partials[0, :N], partials[1, :N], W, b.reshape(1, D))

# --- scband reference (transcript-rebuilt; emitter-appended) ---
"""Pipeline reference for scband-single-net-7876970021055 (READ-ONLY COPY).

The authoritative reference and input builder live on the scoring server;
editing this copy changes nothing except your own understanding.
"""

import jax, jax.numpy as jnp
import numpy as np

N = 10000
E = 320000
D_IN = 128
D_OUT = 128


def setup_inputs(seed: int = 0) -> dict:
    key = jax.random.key(seed)
    k1, k2, k3, k4 = jax.random.split(key, 4)
    edge_index = jax.random.randint(k1, (2, E), 0, N, dtype=jnp.int32)
    features = jax.random.normal(k2, (N, D_IN), dtype=jnp.float32)
    edge_weights = jax.random.uniform(k3, (E,), dtype=jnp.float32)
    stdv = float(np.sqrt(6.0 / (D_IN + D_OUT)))
    W = jax.random.uniform(k4, (D_IN, D_OUT), minval=-stdv, maxval=stdv, dtype=jnp.float32)
    b = jnp.zeros((D_OUT,), dtype=jnp.float32)
    return {"edge_index": edge_index, "features": features, "edge_weights": edge_weights, "W": W, "b": b}


def reference(edge_index, features, edge_weights, W, b):
    # custom_GCNConv.forward: x = features @ weight; propagate(edge_index, x=x, norm=edge_weights)
    x = jnp.matmul(features, W)
    src = edge_index[0]
    dst = edge_index[1]
    # message: norm.view(-1,1) * x_j  (x_j = x gathered at source nodes)
    msgs = edge_weights[:, None] * jnp.take(x, src, axis=0)
    # aggr='add': scatter-add messages to destination nodes
    aggr = jnp.zeros((features.shape[0], W.shape[1]), dtype=x.dtype).at[dst].add(msgs)
    # update: add bias
    z = aggr + b
    # single_Net.forward: log_softmax over feature dim
    return jax.nn.log_softmax(z, axis=1)

if __name__ == "__main__":
    import jax
    _d = setup_inputs()
    print(jax.jit(kernel)(*tuple(_d.values())))

</pallas_src>

<mosaic_0001>
#map = affine_map<(d0, d1) -> (0)>
#map1 = affine_map<(d0, d1) -> (0, 0)>
#map2 = affine_map<(d0, d1) -> (0, 0, 0)>
module attributes {stable_mosaic.version = 14 : i64} {
  func.func @_sc_propagate_body(%arg0: i32, %arg1: i32, %arg2: memref<320000xi32, #tpu.memory_space<hbm>>, %arg3: memref<320000xi32, #tpu.memory_space<hbm>>, %arg4: memref<320000xf32, #tpu.memory_space<hbm>>, %arg5: memref<10000x128xf32, #tpu.memory_space<hbm>>, %arg6: memref<2x10240x128xf32, #tpu.memory_space<hbm>>, %arg7: memref<128xi32, #tpu.memory_space<vmem>>, %arg8: memref<128xi32, #tpu.memory_space<vmem>>, %arg9: memref<128xf32, #tpu.memory_space<vmem>>, %arg10: memref<128x128xf32, #tpu.memory_space<vmem>>, %arg11: memref<10240x128xf32, #tpu.memory_space<vmem_shared>>, %arg12: memref<!tpu.dma_semaphore, #tpu.memory_space<semaphore_mem>>) attributes {dimension_semantics = [#tpu.dimension_semantics<core_parallel>, #tpu.dimension_semantics<subcore_parallel>], iteration_bounds = array<i64: 2, 16>, scalar_prefetch = 0 : i64, scratch_operands = 6 : i64, tpu.core_type = #tpu.core_type<sc_vector_subcore>, window_params = [{transform_indices = #map}, {transform_indices = #map}, {transform_indices = #map}, {transform_indices = #map1}, {transform_indices = #map2}]} {
    %mul3A = arith.constant 2 : i32
    %mul3A_0 = arith.muli %arg1, %mul3A : i32
    %add3A = arith.addi %mul3A_0, %arg0 : i32
    %broadcast_in_dim3A = arith.constant 0.000000e+00 : f32
    %broadcast_in_dim3A_1 = vector.broadcast %broadcast_in_dim3A : f32 to vector<16xf32>
    %scan3A = arith.constant 0 : i32
    %scan3A_2 = arith.constant 0 : i32
    %scan3A_3 = arith.constant 128 : i32
    %scan3A_4 = arith.addi %scan3A_2, %scan3A_3 : i32
    %scan3A_5 = arith.constant 1 : i32
    scf.for %scan3A_51 = %scan3A_2 to %scan3A_4 step %scan3A_5  : i32 {
      %swap3A = arith.index_cast %scan3A_51 : i32 to index
      %swap3A_52 = arith.constant 0 : index
      %swap3A_53 = tpu.vector_load %arg10[%swap3A, %swap3A_52] {strides = array<i32>} : memref<128x128xf32, #tpu.memory_space<vmem>>, vector<16xf32>,
      tpu.vector_store %arg10[%swap3A, %swap3A_52], %broadcast_in_dim3A_1 {strides = array<i32>} : memref<128x128xf32, #tpu.memory_space<vmem>>, vector<16xf32>,
      %swap3A_54 = arith.index_cast %scan3A_51 : i32 to index
      %swap3A_55 = arith.constant 16 : index
      %swap3A_56 = tpu.vector_load %arg10[%swap3A_54, %swap3A_55] {strides = array<i32>} : memref<128x128xf32, #tpu.memory_space<vmem>>, vector<16xf32>,
      tpu.vector_store %arg10[%swap3A_54, %swap3A_55], %broadcast_in_dim3A_1 {strides = array<i32>} : memref<128x128xf32, #tpu.memory_space<vmem>>, vector<16xf32>,
      %swap3A_57 = arith.index_cast %scan3A_51 : i32 to index
      %swap3A_58 = arith.constant 32 : index
      %swap3A_59 = tpu.vector_load %arg10[%swap3A_57, %swap3A_58] {strides = array<i32>} : memref<128x128xf32, #tpu.memory_space<vmem>>, vector<16xf32>,
      tpu.vector_store %arg10[%swap3A_57, %swap3A_58], %broadcast_in_dim3A_1 {strides = array<i32>} : memref<128x128xf32, #tpu.memory_space<vmem>>, vector<16xf32>,
      %swap3A_60 = arith.index_cast %scan3A_51 : i32 to index
      %swap3A_61 = arith.constant 48 : index
      %swap3A_62 = tpu.vector_load %arg10[%swap3A_60, %swap3A_61] {strides = array<i32>} : memref<128x128xf32, #tpu.memory_space<vmem>>, vector<16xf32>,
      tpu.vector_store %arg10[%swap3A_60, %swap3A_61], %broadcast_in_dim3A_1 {strides = array<i32>} : memref<128x128xf32, #tpu.memory_space<vmem>>, vector<16xf32>,
      %swap3A_63 = arith.index_cast %scan3A_51 : i32 to index
      %swap3A_64 = arith.constant 64 : index
      %swap3A_65 = tpu.vector_load %arg10[%swap3A_63, %swap3A_64] {strides = array<i32>} : memref<128x128xf32, #tpu.memory_space<vmem>>, vector<16xf32>,
      tpu.vector_store %arg10[%swap3A_63, %swap3A_64], %broadcast_in_dim3A_1 {strides = array<i32>} : memref<128x128xf32, #tpu.memory_space<vmem>>, vector<16xf32>,
      %swap3A_66 = arith.index_cast %scan3A_51 : i32 to index
      %swap3A_67 = arith.constant 80 : index
      %swap3A_68 = tpu.vector_load %arg10[%swap3A_66, %swap3A_67] {strides = array<i32>} : memref<128x128xf32, #tpu.memory_space<vmem>>, vector<16xf32>,
      tpu.vector_store %arg10[%swap3A_66, %swap3A_67], %broadcast_in_dim3A_1 {strides = array<i32>} : memref<128x128xf32, #tpu.memory_space<vmem>>, vector<16xf32>,
      %swap3A_69 = arith.index_cast %scan3A_51 : i32 to index
      %swap3A_70 = arith.constant 96 : index
      %swap3A_71 = tpu.vector_load %arg10[%swap3A_69, %swap3A_70] {strides = array<i32>} : memref<128x128xf32, #tpu.memory_space<vmem>>, vector<16xf32>,
      tpu.vector_store %arg10[%swap3A_69, %swap3A_70], %broadcast_in_dim3A_1 {strides = array<i32>} : memref<128x128xf32, #tpu.memory_space<vmem>>, vector<16xf32>,
      %swap3A_72 = arith.index_cast %scan3A_51 : i32 to index
      %swap3A_73 = arith.constant 112 : index
      %swap3A_74 = tpu.vector_load %arg10[%swap3A_72, %swap3A_73] {strides = array<i32>} : memref<128x128xf32, #tpu.memory_space<vmem>>, vector<16xf32>,
      tpu.vector_store %arg10[%swap3A_72, %swap3A_73], %broadcast_in_dim3A_1 {strides = array<i32>} : memref<128x128xf32, #tpu.memory_space<vmem>>, vector<16xf32>,
    }
    %scan3A_6 = arith.constant 128 : i32
    %mul3A_7 = arith.constant 640 : i32
    %mul3A_8 = arith.muli %arg1, %mul3A_7 : i32
    %add3A_9 = arith.constant 0 : i32
    %add3A_10 = arith.addi %mul3A_8, %add3A_9 : i32
    "tpu.region"() ({
      %run_scoped3A = tpu.sem_alloc : memref<!tpu.dma_semaphore, #tpu.memory_space<semaphore_mem>>
      %dma_start3A = arith.constant 0 : i32
      %dma_start3A_51 = tpu.memref_slice %arg11[%add3A_10, %dma_start3A] : memref<10240x128xf32, #tpu.memory_space<vmem_shared>> -> memref<128x128xf32, #tpu.memory_space<vmem_shared>>
      %dma_start3A_52 = arith.constant 0 : i32
      %dma_start3A_53 = tpu.memref_slice %arg11[%add3A_10, %dma_start3A_52] : memref<10240x128xf32, #tpu.memory_space<vmem_shared>> -> memref<128x128xf32, #tpu.memory_space<vmem_shared>>
      tpu.enqueue_dma source(%arg10 : memref<128x128xf32, #tpu.memory_space<vmem>>) target(%dma_start3A_53 : memref<128x128xf32, #tpu.memory_space<vmem_shared>>) target_semaphore(%run_scoped3A : memref<!tpu.dma_semaphore, #tpu.memory_space<semaphore_mem>>)
      %dma_wait3A = arith.constant 0 : i32
      %dma_wait3A_54 = tpu.memref_slice %arg11[%add3A_10, %dma_wait3A] : memref<10240x128xf32, #tpu.memory_space<vmem_shared>> -> memref<128x128xf32, #tpu.memory_space<vmem_shared>>
      %dma_wait3A_55 = arith.constant 0 : i32
      %dma_wait3A_56 = tpu.memref_slice %arg11[%add3A_10, %dma_wait3A_55] : memref<10240x128xf32, #tpu.memory_space<vmem_shared>> -> memref<128x128xf32, #tpu.memory_space<vmem_shared>>
      tpu.wait_dma2 semaphore(%run_scoped3A : memref<!tpu.dma_semaphore, #tpu.memory_space<semaphore_mem>>) src(%arg10 : memref<128x128xf32, #tpu.memory_space<vmem>>) dst(%dma_wait3A_56 : memref<128x128xf32, #tpu.memory_space<vmem_shared>>)
      tpu.yield
    }) : () -> ()
    %add3A_11 = arith.constant 128 : i32
    %add3A_12 = arith.addi %mul3A_8, %add3A_11 : i32
    "tpu.region"() ({
      %run_scoped3A = tpu.sem_alloc : memref<!tpu.dma_semaphore, #tpu.memory_space<semaphore_mem>>
      %dma_start3A = arith.constant 0 : i32
      %dma_start3A_51 = tpu.memref_slice %arg11[%add3A_12, %dma_start3A] : memref<10240x128xf32, #tpu.memory_space<vmem_shared>> -> memref<128x128xf32, #tpu.memory_space<vmem_shared>>
      %dma_start3A_52 = arith.constant 0 : i32
      %dma_start3A_53 = tpu.memref_slice %arg11[%add3A_12, %dma_start3A_52] : memref<10240x128xf32, #tpu.memory_space<vmem_shared>> -> memref<128x128xf32, #tpu.memory_space<vmem_shared>>
      tpu.enqueue_dma source(%arg10 : memref<128x128xf32, #tpu.memory_space<vmem>>) target(%dma_start3A_53 : memref<128x128xf32, #tpu.memory_space<vmem_shared>>) target_semaphore(%run_scoped3A : memref<!tpu.dma_semaphore, #tpu.memory_space<semaphore_mem>>)
      %dma_wait3A = arith.constant 0 : i32
      %dma_wait3A_54 = tpu.memref_slice %arg11[%add3A_12, %dma_wait3A] : memref<10240x128xf32, #tpu.memory_space<vmem_shared>> -> memref<128x128xf32, #tpu.memory_space<vmem_shared>>
      %dma_wait3A_55 = arith.constant 0 : i32
      %dma_wait3A_56 = tpu.memref_slice %arg11[%add3A_12, %dma_wait3A_55] : memref<10240x128xf32, #tpu.memory_space<vmem_shared>> -> memref<128x128xf32, #tpu.memory_space<vmem_shared>>
      tpu.wait_dma2 semaphore(%run_scoped3A : memref<!tpu.dma_semaphore, #tpu.memory_space<semaphore_mem>>) src(%arg10 : memref<128x128xf32, #tpu.memory_space<vmem>>) dst(%dma_wait3A_56 : memref<128x128xf32, #tpu.memory_space<vmem_shared>>)
      tpu.yield
    }) : () -> ()
    %add3A_13 = arith.constant 256 : i32
    %add3A_14 = arith.addi %mul3A_8, %add3A_13 : i32
    "tpu.region"() ({
      %run_scoped3A = tpu.sem_alloc : memref<!tpu.dma_semaphore, #tpu.memory_space<semaphore_mem>>
      %dma_start3A = arith.constant 0 : i32
      %dma_start3A_51 = tpu.memref_slice %arg11[%add3A_14, %dma_start3A] : memref<10240x128xf32, #tpu.memory_space<vmem_shared>> -> memref<128x128xf32, #tpu.memory_space<vmem_shared>>
      %dma_start3A_52 = arith.constant 0 : i32
      %dma_start3A_53 = tpu.memref_slice %arg11[%add3A_14, %dma_start3A_52] : memref<10240x128xf32, #tpu.memory_space<vmem_shared>> -> memref<128x128xf32, #tpu.memory_space<vmem_shared>>
      tpu.enqueue_dma source(%arg10 : memref<128x128xf32, #tpu.memory_space<vmem>>) target(%dma_start3A_53 : memref<128x128xf32, #tpu.memory_space<vmem_shared>>) target_semaphore(%run_scoped3A : memref<!tpu.dma_semaphore, #tpu.memory_space<semaphore_mem>>)
      %dma_wait3A = arith.constant 0 : i32
      %dma_wait3A_54 = tpu.memref_slice %arg11[%add3A_14, %dma_wait3A] : memref<10240x128xf32, #tpu.memory_space<vmem_shared>> -> memref<128x128xf32, #tpu.memory_space<vmem_shared>>
      %dma_wait3A_55 = arith.constant 0 : i32
      %dma_wait3A_56 = tpu.memref_slice %arg11[%add3A_14, %dma_wait3A_55] : memref<10240x128xf32, #tpu.memory_space<vmem_shared>> -> memref<128x128xf32, #tpu.memory_space<vmem_shared>>
      tpu.wait_dma2 semaphore(%run_scoped3A : memref<!tpu.dma_semaphore, #tpu.memory_space<semaphore_mem>>) src(%arg10 : memref<128x128xf32, #tpu.memory_space<vmem>>) dst(%dma_wait3A_56 : memref<128x128xf32, #tpu.memory_space<vmem_shared>>)
      tpu.yield
    }) : () -> ()
    %add3A_15 = arith.constant 384 : i32
    %add3A_16 = arith.addi %mul3A_8, %add3A_15 : i32
    "tpu.region"() ({
      %run_scoped3A = tpu.sem_alloc : memref<!tpu.dma_semaphore, #tpu.memory_space<semaphore_mem>>
      %dma_start3A = arith.constant 0 : i32
      %dma_start3A_51 = tpu.memref_slice %arg11[%add3A_16, %dma_start3A] : memref<10240x128xf32, #tpu.memory_space<vmem_shared>> -> memref<128x128xf32, #tpu.memory_space<vmem_shared>>
      %dma_start3A_52 = arith.constant 0 : i32
      %dma_start3A_53 = tpu.memref_slice %arg11[%add3A_16, %dma_start3A_52] : memref<10240x128xf32, #tpu.memory_space<vmem_shared>> -> memref<128x128xf32, #tpu.memory_space<vmem_shared>>
      tpu.enqueue_dma source(%arg10 : memref<128x128xf32, #tpu.memory_space<vmem>>) target(%dma_start3A_53 : memref<128x128xf32, #tpu.memory_space<vmem_shared>>) target_semaphore(%run_scoped3A : memref<!tpu.dma_semaphore, #tpu.memory_space<semaphore_mem>>)
      %dma_wait3A = arith.constant 0 : i32
      %dma_wait3A_54 = tpu.memref_slice %arg11[%add3A_16, %dma_wait3A] : memref<10240x128xf32, #tpu.memory_space<vmem_shared>> -> memref<128x128xf32, #tpu.memory_space<vmem_shared>>
      %dma_wait3A_55 = arith.constant 0 : i32
      %dma_wait3A_56 = tpu.memref_slice %arg11[%add3A_16, %dma_wait3A_55] : memref<10240x128xf32, #tpu.memory_space<vmem_shared>> -> memref<128x128xf32, #tpu.memory_space<vmem_shared>>
      tpu.wait_dma2 semaphore(%run_scoped3A : memref<!tpu.dma_semaphore, #tpu.memory_space<semaphore_mem>>) src(%arg10 : memref<128x128xf32, #tpu.memory_space<vmem>>) dst(%dma_wait3A_56 : memref<128x128xf32, #tpu.memory_space<vmem_shared>>)
      tpu.yield
    }) : () -> ()
    %add3A_17 = arith.constant 512 : i32
    %add3A_18 = arith.addi %mul3A_8, %add3A_17 : i32
    "tpu.region"() ({
      %run_scoped3A = tpu.sem_alloc : memref<!tpu.dma_semaphore, #tpu.memory_space<semaphore_mem>>
      %dma_start3A = arith.constant 0 : i32
      %dma_start3A_51 = tpu.memref_slice %arg11[%add3A_18, %dma_start3A] : memref<10240x128xf32, #tpu.memory_space<vmem_shared>> -> memref<128x128xf32, #tpu.memory_space<vmem_shared>>
      %dma_start3A_52 = arith.constant 0 : i32
      %dma_start3A_53 = tpu.memref_slice %arg11[%add3A_18, %dma_start3A_52] : memref<10240x128xf32, #tpu.memory_space<vmem_shared>> -> memref<128x128xf32, #tpu.memory_space<vmem_shared>>
      tpu.enqueue_dma source(%arg10 : memref<128x128xf32, #tpu.memory_space<vmem>>) target(%dma_start3A_53 : memref<128x128xf32, #tpu.memory_space<vmem_shared>>) target_semaphore(%run_scoped3A : memref<!tpu.dma_semaphore, #tpu.memory_space<semaphore_mem>>)
      %dma_wait3A = arith.constant 0 : i32
      %dma_wait3A_54 = tpu.memref_slice %arg11[%add3A_18, %dma_wait3A] : memref<10240x128xf32, #tpu.memory_space<vmem_shared>> -> memref<128x128xf32, #tpu.memory_space<vmem_shared>>
      %dma_wait3A_55 = arith.constant 0 : i32
      %dma_wait3A_56 = tpu.memref_slice %arg11[%add3A_18, %dma_wait3A_55] : memref<10240x128xf32, #tpu.memory_space<vmem_shared>> -> memref<128x128xf32, #tpu.memory_space<vmem_shared>>
      tpu.wait_dma2 semaphore(%run_scoped3A : memref<!tpu.dma_semaphore, #tpu.memory_space<semaphore_mem>>) src(%arg10 : memref<128x128xf32, #tpu.memory_space<vmem>>) dst(%dma_wait3A_56 : memref<128x128xf32, #tpu.memory_space<vmem_shared>>)
      tpu.yield
    }) : () -> ()
    %barrier3A = arith.constant 0 : index
    tpu.barrier barrier_id(%barrier3A)
    %sub3A = arith.constant 2500 : i32
    %sub3A_19 = arith.subi %sub3A, %add3A : i32
    %add3A_20 = arith.constant 32 : i32
    %add3A_21 = arith.addi %sub3A_19, %add3A_20 : i32
    %sub3A_22 = arith.constant 1 : i32
    %sub3A_23 = arith.subi %add3A_21, %sub3A_22 : i32
    %jit3A = arith.constant 32 : i32
    %div3A = arith.divsi %sub3A_23, %jit3A : i32
    %sign3A = arith.constant 0 : i32
    %sign3A_24 = arith.cmpi sgt, %sub3A_23, %sign3A : i32
    %sign3A_25 = arith.extui %sign3A_24 : i1 to i32
    %sign3A_26 = arith.constant 0 : i32
    %sign3A_27 = arith.cmpi slt, %sub3A_23, %sign3A_26 : i32
    %sign3A_28 = arith.extui %sign3A_27 : i1 to i32
    %sign3A_29 = arith.subi %sign3A_25, %sign3A_28 : i32
    %sign3A_30 = arith.constant 0 : i32
    %sign3A_31 = arith.cmpi sgt, %jit3A, %sign3A_30 : i32
    %sign3A_32 = arith.extui %sign3A_31 : i1 to i32
    %sign3A_33 = arith.constant 0 : i32
    %sign3A_34 = arith.cmpi slt, %jit3A, %sign3A_33 : i32
    %sign3A_35 = arith.extui %sign3A_34 : i1 to i32
    %sign3A_36 = arith.subi %sign3A_32, %sign3A_35 : i32
    %ne3A = arith.cmpi ne, %sign3A_29, %sign3A_36 : i32
    %rem3A = arith.remsi %sub3A_23, %jit3A : i32
    %ne3A_37 = arith.constant 0 : i32
    %ne3A_38 = arith.cmpi ne, %rem3A, %ne3A_37 : i32
    %and3A = arith.andi %ne3A, %ne3A_38 : i1
    %sub3A_39 = arith.constant 1 : i32
    %sub3A_40 = arith.subi %div3A, %sub3A_39 : i32
    %select_n3A = arith.select %and3A, %sub3A_40, %div3A : i32
    %while3A = arith.constant 0 : i32
    %while3A_41 = arith.constant 0 : i32
    %while3A_42 = arith.subi %select_n3A, %while3A_41 : i32
    %while3A_43 = arith.addi %while3A_41, %while3A_42 : i32
    %while3A_44 = arith.constant 1 : i32
    %while3A_45 = arith.divsi %while3A_42, %while3A_44 : i32
    %while3A_46 = arith.muli %while3A_45, %while3A_44 : i32
    %while3A_47 = arith.addi %while3A_41, %while3A_46 : i32
    %while3A_48 = arith.constant 1 : i32
    scf.for %while3A_51 = %while3A_41 to %while3A_47 step %while3A_48  : i32 {
      %mul3A_52 = arith.constant 32 : i32
      %mul3A_53 = arith.muli %while3A_51, %mul3A_52 : i32
      %add3A_54 = arith.addi %add3A, %mul3A_53 : i32
      %mul3A_55 = arith.constant 128 : i32
      %mul3A_56 = arith.muli %add3A_54, %mul3A_55 : i32
      "tpu.region"() ({
        %run_scoped3A = tpu.sem_alloc : memref<!tpu.dma_semaphore, #tpu.memory_space<semaphore_mem>>
        %dma_start3A_67 = tpu.memref_slice %arg2[%mul3A_56] : memref<320000xi32, #tpu.memory_space<hbm>> -> memref<128xi32, #tpu.memory_space<hbm>>
        %dma_start3A_68 = tpu.memref_slice %arg2[%mul3A_56] : memref<320000xi32, #tpu.memory_space<hbm>> -> memref<128xi32, #tpu.memory_space<hbm>>
        tpu.enqueue_dma source(%dma_start3A_68 : memref<128xi32, #tpu.memory_space<hbm>>) target(%arg7 : memref<128xi32, #tpu.memory_space<vmem>>) target_semaphore(%run_scoped3A : memref<!tpu.dma_semaphore, #tpu.memory_space<semaphore_mem>>)
        %dma_wait3A_69 = tpu.memref_slice %arg2[%mul3A_56] : memref<320000xi32, #tpu.memory_space<hbm>> -> memref<128xi32, #tpu.memory_space<hbm>>
        %dma_wait3A_70 = tpu.memref_slice %arg2[%mul3A_56] : memref<320000xi32, #tpu.memory_space<hbm>> -> memref<128xi32, #tpu.memory_space<hbm>>
        tpu.wait_dma2 semaphore(%run_scoped3A : memref<!tpu.dma_semaphore, #tpu.memory_space<semaphore_mem>>) src(%dma_wait3A_70 : memref<128xi32, #tpu.memory_space<hbm>>) dst(%arg7 : memref<128xi32, #tpu.memory_space<vmem>>)
        tpu.yield
      }) : () -> ()
      "tpu.region"() ({
        %run_scoped3A = tpu.sem_alloc : memref<!tpu.dma_semaphore, #tpu.memory_space<semaphore_mem>>
        %dma_start3A_67 = tpu.memref_slice %arg3[%mul3A_56] : memref<320000xi32, #tpu.memory_space<hbm>> -> memref<128xi32, #tpu.memory_space<hbm>>
        %dma_start3A_68 = tpu.memref_slice %arg3[%mul3A_56] : memref<320000xi32, #tpu.memory_space<hbm>> -> memref<128xi32, #tpu.memory_space<hbm>>
        tpu.enqueue_dma source(%dma_start3A_68 : memref<128xi32, #tpu.memory_space<hbm>>) target(%arg8 : memref<128xi32, #tpu.memory_space<vmem>>) target_semaphore(%run_scoped3A : memref<!tpu.dma_semaphore, #tpu.memory_space<semaphore_mem>>)
        %dma_wait3A_69 = tpu.memref_slice %arg3[%mul3A_56] : memref<320000xi32, #tpu.memory_space<hbm>> -> memref<128xi32, #tpu.memory_space<hbm>>
        %dma_wait3A_70 = tpu.memref_slice %arg3[%mul3A_56] : memref<320000xi32, #tpu.memory_space<hbm>> -> memref<128xi32, #tpu.memory_space<hbm>>
        tpu.wait_dma2 semaphore(%run_scoped3A : memref<!tpu.dma_semaphore, #tpu.memory_space<semaphore_mem>>) src(%dma_wait3A_70 : memref<128xi32, #tpu.memory_space<hbm>>) dst(%arg8 : memref<128xi32, #tpu.memory_space<vmem>>)
        tpu.yield
      }) : () -> ()
      "tpu.region"() ({
        %run_scoped3A = tpu.sem_alloc : memref<!tpu.dma_semaphore, #tpu.memory_space<semaphore_mem>>
        %dma_start3A_67 = tpu.memref_slice %arg4[%mul3A_56] : memref<320000xf32, #tpu.memory_space<hbm>> -> memref<128xf32, #tpu.memory_space<hbm>>
        %dma_start3A_68 = tpu.memref_slice %arg4[%mul3A_56] : memref<320000xf32, #tpu.memory_space<hbm>> -> memref<128xf32, #tpu.memory_space<hbm>>
        tpu.enqueue_dma source(%dma_start3A_68 : memref<128xf32, #tpu.memory_space<hbm>>) target(%arg9 : memref<128xf32, #tpu.memory_space<vmem>>) target_semaphore(%run_scoped3A : memref<!tpu.dma_semaphore, #tpu.memory_space<semaphore_mem>>)
        %dma_wait3A_69 = tpu.memref_slice %arg4[%mul3A_56] : memref<320000xf32, #tpu.memory_space<hbm>> -> memref<128xf32, #tpu.memory_space<hbm>>
        %dma_wait3A_70 = tpu.memref_slice %arg4[%mul3A_56] : memref<320000xf32, #tpu.memory_space<hbm>> -> memref<128xf32, #tpu.memory_space<hbm>>
        tpu.wait_dma2 semaphore(%run_scoped3A : memref<!tpu.dma_semaphore, #tpu.memory_space<semaphore_mem>>) src(%dma_wait3A_70 : memref<128xf32, #tpu.memory_space<hbm>>) dst(%arg9 : memref<128xf32, #tpu.memory_space<vmem>>)
        tpu.yield
      }) : () -> ()
      %dma_start3A = arith.constant 0 : i32
      %dma_start3A_57 = arith.constant 0 : i32
      %dma_start3A_58 = tpu.memref_slice %arg5[%dma_start3A, %dma_start3A_57] : memref<10000x128xf32, #tpu.memory_space<hbm>> -> memref<10000x128xf32, #tpu.memory_space<hbm>>
      tpu.enqueue_indirect_dma source(%dma_start3A_58 : memref<10000x128xf32, #tpu.memory_space<hbm>>) target(%arg10 : memref<128x128xf32, #tpu.memory_space<vmem>>) offsets(%arg7 : memref<128xi32, #tpu.memory_space<vmem>>) semaphore(%arg12 : memref<!tpu.dma_semaphore, #tpu.memory_space<semaphore_mem>>)
      %dma_wait3A = arith.constant 0 : i32
      %dma_wait3A_59 = arith.constant 0 : i32
      %dma_wait3A_60 = tpu.memref_slice %arg5[%dma_wait3A, %dma_wait3A_59] : memref<10000x128xf32, #tpu.memory_space<hbm>> -> memref<10000x128xf32, #tpu.memory_space<hbm>>
      tpu.wait_indirect_dma semaphore(%arg12 : memref<!tpu.dma_semaphore, #tpu.memory_space<semaphore_mem>>) src(%dma_wait3A_60 : memref<10000x128xf32, #tpu.memory_space<hbm>>) dst(%arg10 : memref<128x128xf32, #tpu.memory_space<vmem>>)
      %scan3A_61 = arith.constant 0 : i32
      %scan3A_62 = arith.constant 0 : i32
      %scan3A_63 = arith.constant 128 : i32
      %scan3A_64 = arith.addi %scan3A_62, %scan3A_63 : i32
      %scan3A_65 = arith.constant 1 : i32
      scf.for %scan3A_67 = %scan3A_62 to %scan3A_64 step %scan3A_65  : i32 {
        %broadcast_in_dim3A_68 = vector.broadcast %scan3A_67 : i32 to vector<16xi32>
        %gather3A = tpu.vector_load_idx %arg9[%broadcast_in_dim3A_68] : memref<128xf32, #tpu.memory_space<vmem>>[vector<16xi32>], vector<16xf32>,
        %get3A = arith.index_cast %scan3A_67 : i32 to index
        %get3A_69 = arith.constant 0 : index
        %get3A_70 = tpu.vector_load %arg10[%get3A, %get3A_69] {strides = array<i32>} : memref<128x128xf32, #tpu.memory_space<vmem>>, vector<16xf32>,
        %mul3A_71 = arith.mulf %get3A_70, %gather3A : vector<16xf32>
        %swap3A = arith.index_cast %scan3A_67 : i32 to index
        %swap3A_72 = arith.constant 0 : index
        %swap3A_73 = tpu.vector_load %arg10[%swap3A, %swap3A_72] {strides = array<i32>} : memref<128x128xf32, #tpu.memory_space<vmem>>, vector<16xf32>,
        tpu.vector_store %arg10[%swap3A, %swap3A_72], %mul3A_71 {strides = array<i32>} : memref<128x128xf32, #tpu.memory_space<vmem>>, vector<16xf32>,
        %get3A_74 = arith.index_cast %scan3A_67 : i32 to index
        %get3A_75 = arith.constant 16 : index
        %get3A_76 = tpu.vector_load %arg10[%get3A_74, %get3A_75] {strides = array<i32>} : memref<128x128xf32, #tpu.memory_space<vmem>>, vector<16xf32>,
        %mul3A_77 = arith.mulf %get3A_76, %gather3A : vector<16xf32>
        %swap3A_78 = arith.index_cast %scan3A_67 : i32 to index
        %swap3A_79 = arith.constant 16 : index
        %swap3A_80 = tpu.vector_load %arg10[%swap3A_78, %swap3A_79] {strides = array<i32>} : memref<128x128xf32, #tpu.memory_space<vmem>>, vector<16xf32>,
        tpu.vector_store %arg10[%swap3A_78, %swap3A_79], %mul3A_77 {strides = array<i32>} : memref<128x128xf32, #tpu.memory_space<vmem>>, vector<16xf32>,
        %get3A_81 = arith.index_cast %scan3A_67 : i32 to index
        %get3A_82 = arith.constant 32 : index
        %get3A_83 = tpu.vector_load %arg10[%get3A_81, %get3A_82] {strides = array<i32>} : memref<128x128xf32, #tpu.memory_space<vmem>>, vector<16xf32>,
        %mul3A_84 = arith.mulf %get3A_83, %gather3A : vector<16xf32>
        %swap3A_85 = arith.index_cast %scan3A_67 : i32 to index
        %swap3A_86 = arith.constant 32 : index
        %swap3A_87 = tpu.vector_load %arg10[%swap3A_85, %swap3A_86] {strides = array<i32>} : memref<128x128xf32, #tpu.memory_space<vmem>>, vector<16xf32>,
        tpu.vector_store %arg10[%swap3A_85, %swap3A_86], %mul3A_84 {strides = array<i32>} : memref<128x128xf32, #tpu.memory_space<vmem>>, vector<16xf32>,
        %get3A_88 = arith.index_cast %scan3A_67 : i32 to index
        %get3A_89 = arith.constant 48 : index
        %get3A_90 = tpu.vector_load %arg10[%get3A_88, %get3A_89] {strides = array<i32>} : memref<128x128xf32, #tpu.memory_space<vmem>>, vector<16xf32>,
        %mul3A_91 = arith.mulf %get3A_90, %gather3A : vector<16xf32>
        %swap3A_92 = arith.index_cast %scan3A_67 : i32 to index
        %swap3A_93 = arith.constant 48 : index
        %swap3A_94 = tpu.vector_load %arg10[%swap3A_92, %swap3A_93] {strides = array<i32>} : memref<128x128xf32, #tpu.memory_space<vmem>>, vector<16xf32>,
        tpu.vector_store %arg10[%swap3A_92, %swap3A_93], %mul3A_91 {strides = array<i32>} : memref<128x128xf32, #tpu.memory_space<vmem>>, vector<16xf32>,
        %get3A_95 = arith.index_cast %scan3A_67 : i32 to index
        %get3A_96 = arith.constant 64 : index
        %get3A_97 = tpu.vector_load %arg10[%get3A_95, %get3A_96] {strides = array<i32>} : memref<128x128xf32, #tpu.memory_space<vmem>>, vector<16xf32>,
        %mul3A_98 = arith.mulf %get3A_97, %gather3A : vector<16xf32>
        %swap3A_99 = arith.index_cast %scan3A_67 : i32 to index
        %swap3A_100 = arith.constant 64 : index
        %swap3A_101 = tpu.vector_load %arg10[%swap3A_99, %swap3A_100] {strides = array<i32>} : memref<128x128xf32, #tpu.memory_space<vmem>>, vector<16xf32>,
        tpu.vector_store %arg10[%swap3A_99, %swap3A_100], %mul3A_98 {strides = array<i32>} : memref<128x128xf32, #tpu.memory_space<vmem>>, vector<16xf32>,
        %get3A_102 = arith.index_cast %scan3A_67 : i32 to index
        %get3A_103 = arith.constant 80 : index
        %get3A_104 = tpu.vector_load %arg10[%get3A_102, %get3A_103] {strides = array<i32>} : memref<128x128xf32, #tpu.memory_space<vmem>>, vector<16xf32>,
        %mul3A_105 = arith.mulf %get3A_104, %gather3A : vector<16xf32>
        %swap3A_106 = arith.index_cast %scan3A_67 : i32 to index
        %swap3A_107 = arith.constant 80 : index
        %swap3A_108 = tpu.vector_load %arg10[%swap3A_106, %swap3A_107] {strides = array<i32>} : memref<128x128xf32, #tpu.memory_space<vmem>>, vector<16xf32>,
        tpu.vector_store %arg10[%swap3A_106, %swap3A_107], %mul3A_105 {strides = array<i32>} : memref<128x128xf32, #tpu.memory_space<vmem>>, vector<16xf32>,
        %get3A_109 = arith.index_cast %scan3A_67 : i32 to index
        %get3A_110 = arith.constant 96 : index
        %get3A_111 = tpu.vector_load %arg10[%get3A_109, %get3A_110] {strides = array<i32>} : memref<128x128xf32, #tpu.memory_space<vmem>>, vector<16xf32>,
        %mul3A_112 = arith.mulf %get3A_111, %gather3A : vector<16xf32>
        %swap3A_113 = arith.index_cast %scan3A_67 : i32 to index
        %swap3A_114 = arith.constant 96 : index
        %swap3A_115 = tpu.vector_load %arg10[%swap3A_113, %swap3A_114] {strides = array<i32>} : memref<128x128xf32, #tpu.memory_space<vmem>>, vector<16xf32>,
        tpu.vector_store %arg10[%swap3A_113, %swap3A_114], %mul3A_112 {strides = array<i32>} : memref<128x128xf32, #tpu.memory_space<vmem>>, vector<16xf32>,
        %get3A_116 = arith.index_cast %scan3A_67 : i32 to index
        %get3A_117 = arith.constant 112 : index
        %get3A_118 = tpu.vector_load %arg10[%get3A_116, %get3A_117] {strides = array<i32>} : memref<128x128xf32, #tpu.memory_space<vmem>>, vector<16xf32>,
        %mul3A_119 = arith.mulf %get3A_118, %gather3A : vector<16xf32>
        %swap3A_120 = arith.index_cast %scan3A_67 : i32 to index
        %swap3A_121 = arith.constant 112 : index
        %swap3A_122 = tpu.vector_load %arg10[%swap3A_120, %swap3A_121] {strides = array<i32>} : memref<128x128xf32, #tpu.memory_space<vmem>>, vector<16xf32>,
        tpu.vector_store %arg10[%swap3A_120, %swap3A_121], %mul3A_119 {strides = array<i32>} : memref<128x128xf32, #tpu.memory_space<vmem>>, vector<16xf32>,
      }
      %scan3A_66 = arith.constant 128 : i32
      "tpu.region"() ({
        %run_scoped3A = tpu.sem_alloc : memref<!tpu.dma_semaphore, #tpu.memory_space<semaphore_mem>>
        %dma_start3A_67 = arith.constant 0 : i32
        %dma_start3A_68 = arith.constant 0 : i32
        %dma_start3A_69 = tpu.memref_slice %arg11[%dma_start3A_67, %dma_start3A_68] : memref<10240x128xf32, #tpu.memory_space<vmem_shared>> -> memref<10240x128xf32, #tpu.memory_space<vmem_shared>>
        tpu.enqueue_indirect_dma source(%arg10 : memref<128x128xf32, #tpu.memory_space<vmem>>) target(%dma_start3A_69 : memref<10240x128xf32, #tpu.memory_space<vmem_shared>>) offsets(%arg8 : memref<128xi32, #tpu.memory_space<vmem>>) semaphore(%run_scoped3A : memref<!tpu.dma_semaphore, #tpu.memory_space<semaphore_mem>>) {add = true}
        %dma_wait3A_70 = arith.constant 0 : i32
        %dma_wait3A_71 = arith.constant 0 : i32
        %dma_wait3A_72 = tpu.memref_slice %arg11[%dma_wait3A_70, %dma_wait3A_71] : memref<10240x128xf32, #tpu.memory_space<vmem_shared>> -> memref<10240x128xf32, #tpu.memory_space<vmem_shared>>
        tpu.wait_indirect_dma semaphore(%run_scoped3A : memref<!tpu.dma_semaphore, #tpu.memory_space<semaphore_mem>>) src(%arg10 : memref<128x128xf32, #tpu.memory_space<vmem>>) dst(%dma_wait3A_72 : memref<10240x128xf32, #tpu.memory_space<vmem_shared>>)
        tpu.yield
      }) : () -> ()
    }
    %while3A_49 = arith.constant 1 : i32
    scf.for %while3A_51 = %while3A_47 to %while3A_43 step %while3A_49  : i32 {
      %mul3A_52 = arith.constant 32 : i32
      %mul3A_53 = arith.muli %while3A_51, %mul3A_52 : i32
      %add3A_54 = arith.addi %add3A, %mul3A_53 : i32
      %mul3A_55 = arith.constant 128 : i32
      %mul3A_56 = arith.muli %add3A_54, %mul3A_55 : i32
      "tpu.region"() ({
        %run_scoped3A = tpu.sem_alloc : memref<!tpu.dma_semaphore, #tpu.memory_space<semaphore_mem>>
        %dma_start3A_67 = tpu.memref_slice %arg2[%mul3A_56] : memref<320000xi32, #tpu.memory_space<hbm>> -> memref<128xi32, #tpu.memory_space<hbm>>
        %dma_start3A_68 = tpu.memref_slice %arg2[%mul3A_56] : memref<320000xi32, #tpu.memory_space<hbm>> -> memref<128xi32, #tpu.memory_space<hbm>>
        tpu.enqueue_dma source(%dma_start3A_68 : memref<128xi32, #tpu.memory_space<hbm>>) target(%arg7 : memref<128xi32, #tpu.memory_space<vmem>>) target_semaphore(%run_scoped3A : memref<!tpu.dma_semaphore, #tpu.memory_space<semaphore_mem>>)
        %dma_wait3A_69 = tpu.memref_slice %arg2[%mul3A_56] : memref<320000xi32, #tpu.memory_space<hbm>> -> memref<128xi32, #tpu.memory_space<hbm>>
        %dma_wait3A_70 = tpu.memref_slice %arg2[%mul3A_56] : memref<320000xi32, #tpu.memory_space<hbm>> -> memref<128xi32, #tpu.memory_space<hbm>>
        tpu.wait_dma2 semaphore(%run_scoped3A : memref<!tpu.dma_semaphore, #tpu.memory_space<semaphore_mem>>) src(%dma_wait3A_70 : memref<128xi32, #tpu.memory_space<hbm>>) dst(%arg7 : memref<128xi32, #tpu.memory_space<vmem>>)
        tpu.yield
      }) : () -> ()
      "tpu.region"() ({
        %run_scoped3A = tpu.sem_alloc : memref<!tpu.dma_semaphore, #tpu.memory_space<semaphore_mem>>
        %dma_start3A_67 = tpu.memref_slice %arg3[%mul3A_56] : memref<320000xi32, #tpu.memory_space<hbm>> -> memref<128xi32, #tpu.memory_space<hbm>>
        %dma_start3A_68 = tpu.memref_slice %arg3[%mul3A_56] : memref<320000xi32, #tpu.memory_space<hbm>> -> memref<128xi32, #tpu.memory_space<hbm>>
        tpu.enqueue_dma source(%dma_start3A_68 : memref<128xi32, #tpu.memory_space<hbm>>) target(%arg8 : memref<128xi32, #tpu.memory_space<vmem>>) target_semaphore(%run_scoped3A : memref<!tpu.dma_semaphore, #tpu.memory_space<semaphore_mem>>)
        %dma_wait3A_69 = tpu.memref_slice %arg3[%mul3A_56] : memref<320000xi32, #tpu.memory_space<hbm>> -> memref<128xi32, #tpu.memory_space<hbm>>
        %dma_wait3A_70 = tpu.memref_slice %arg3[%mul3A_56] : memref<320000xi32, #tpu.memory_space<hbm>> -> memref<128xi32, #tpu.memory_space<hbm>>
        tpu.wait_dma2 semaphore(%run_scoped3A : memref<!tpu.dma_semaphore, #tpu.memory_space<semaphore_mem>>) src(%dma_wait3A_70 : memref<128xi32, #tpu.memory_space<hbm>>) dst(%arg8 : memref<128xi32, #tpu.memory_space<vmem>>)
        tpu.yield
      }) : () -> ()
      "tpu.region"() ({
        %run_scoped3A = tpu.sem_alloc : memref<!tpu.dma_semaphore, #tpu.memory_space<semaphore_mem>>
        %dma_start3A_67 = tpu.memref_slice %arg4[%mul3A_56] : memref<320000xf32, #tpu.memory_space<hbm>> -> memref<128xf32, #tpu.memory_space<hbm>>
        %dma_start3A_68 = tpu.memref_slice %arg4[%mul3A_56] : memref<320000xf32, #tpu.memory_space<hbm>> -> memref<128xf32, #tpu.memory_space<hbm>>
        tpu.enqueue_dma source(%dma_start3A_68 : memref<128xf32, #tpu.memory_space<hbm>>) target(%arg9 : memref<128xf32, #tpu.memory_space<vmem>>) target_semaphore(%run_scoped3A : memref<!tpu.dma_semaphore, #tpu.memory_space<semaphore_mem>>)
        %dma_wait3A_69 = tpu.memref_slice %arg4[%mul3A_56] : memref<320000xf32, #tpu.memory_space<hbm>> -> memref<128xf32, #tpu.memory_space<hbm>>
        %dma_wait3A_70 = tpu.memref_slice %arg4[%mul3A_56] : memref<320000xf32, #tpu.memory_space<hbm>> -> memref<128xf32, #tpu.memory_space<hbm>>
        tpu.wait_dma2 semaphore(%run_scoped3A : memref<!tpu.dma_semaphore, #tpu.memory_space<semaphore_mem>>) src(%dma_wait3A_70 : memref<128xf32, #tpu.memory_space<hbm>>) dst(%arg9 : memref<128xf32, #tpu.memory_space<vmem>>)
        tpu.yield
      }) : () -> ()
      %dma_start3A = arith.constant 0 : i32
      %dma_start3A_57 = arith.constant 0 : i32
      %dma_start3A_58 = tpu.memref_slice %arg5[%dma_start3A, %dma_start3A_57] : memref<10000x128xf32, #tpu.memory_space<hbm>> -> memref<10000x128xf32, #tpu.memory_space<hbm>>
      tpu.enqueue_indirect_dma source(%dma_start3A_58 : memref<10000x128xf32, #tpu.memory_space<hbm>>) target(%arg10 : memref<128x128xf32, #tpu.memory_space<vmem>>) offsets(%arg7 : memref<128xi32, #tpu.memory_space<vmem>>) semaphore(%arg12 : memref<!tpu.dma_semaphore, #tpu.memory_space<semaphore_mem>>)
      %dma_wait3A = arith.constant 0 : i32
      %dma_wait3A_59 = arith.constant 0 : i32
      %dma_wait3A_60 = tpu.memref_slice %arg5[%dma_wait3A, %dma_wait3A_59] : memref<10000x128xf32, #tpu.memory_space<hbm>> -> memref<10000x128xf32, #tpu.memory_space<hbm>>
      tpu.wait_indirect_dma semaphore(%arg12 : memref<!tpu.dma_semaphore, #tpu.memory_space<semaphore_mem>>) src(%dma_wait3A_60 : memref<10000x128xf32, #tpu.memory_space<hbm>>) dst(%arg10 : memref<128x128xf32, #tpu.memory_space<vmem>>)
      %scan3A_61 = arith.constant 0 : i32
      %scan3A_62 = arith.constant 0 : i32
      %scan3A_63 = arith.constant 128 : i32
      %scan3A_64 = arith.addi %scan3A_62, %scan3A_63 : i32
      %scan3A_65 = arith.constant 1 : i32
      scf.for %scan3A_67 = %scan3A_62 to %scan3A_64 step %scan3A_65  : i32 {
        %broadcast_in_dim3A_68 = vector.broadcast %scan3A_67 : i32 to vector<16xi32>
        %gather3A = tpu.vector_load_idx %arg9[%broadcast_in_dim3A_68] : memref<128xf32, #tpu.memory_space<vmem>>[vector<16xi32>], vector<16xf32>,
        %get3A = arith.index_cast %scan3A_67 : i32 to index
        %get3A_69 = arith.constant 0 : index
        %get3A_70 = tpu.vector_load %arg10[%get3A, %get3A_69] {strides = array<i32>} : memref<128x128xf32, #tpu.memory_space<vmem>>, vector<16xf32>,
        %mul3A_71 = arith.mulf %get3A_70, %gather3A : vector<16xf32>
        %swap3A = arith.index_cast %scan3A_67 : i32 to index
        %swap3A_72 = arith.constant 0 : index
        %swap3A_73 = tpu.vector_load %arg10[%swap3A, %swap3A_72] {strides = array<i32>} : memref<128x128xf32, #tpu.memory_space<vmem>>, vector<16xf32>,
        tpu.vector_store %arg10[%swap3A, %swap3A_72], %mul3A_71 {strides = array<i32>} : memref<128x128xf32, #tpu.memory_space<vmem>>, vector<16xf32>,
        %get3A_74 = arith.index_cast %scan3A_67 : i32 to index
        %get3A_75 = arith.constant 16 : index
        %get3A_76 = tpu.vector_load %arg10[%get3A_74, %get3A_75] {strides = array<i32>} : memref<128x128xf32, #tpu.memory_space<vmem>>, vector<16xf32>,
        %mul3A_77 = arith.mulf %get3A_76, %gather3A : vector<16xf32>
        %swap3A_78 = arith.index_cast %scan3A_67 : i32 to index
        %swap3A_79 = arith.constant 16 : index
        %swap3A_80 = tpu.vector_load %arg10[%swap3A_78, %swap3A_79] {strides = array<i32>} : memref<128x128xf32, #tpu.memory_space<vmem>>, vector<16xf32>,
        tpu.vector_store %arg10[%swap3A_78, %swap3A_79], %mul3A_77 {strides = array<i32>} : memref<128x128xf32, #tpu.memory_space<vmem>>, vector<16xf32>,
        %get3A_81 = arith.index_cast %scan3A_67 : i32 to index
        %get3A_82 = arith.constant 32 : index
        %get3A_83 = tpu.vector_load %arg10[%get3A_81, %get3A_82] {strides = array<i32>} : memref<128x128xf32, #tpu.memory_space<vmem>>, vector<16xf32>,
        %mul3A_84 = arith.mulf %get3A_83, %gather3A : vector<16xf32>
        %swap3A_85 = arith.index_cast %scan3A_67 : i32 to index
        %swap3A_86 = arith.constant 32 : index
        %swap3A_87 = tpu.vector_load %arg10[%swap3A_85, %swap3A_86] {strides = array<i32>} : memref<128x128xf32, #tpu.memory_space<vmem>>, vector<16xf32>,
        tpu.vector_store %arg10[%swap3A_85, %swap3A_86], %mul3A_84 {strides = array<i32>} : memref<128x128xf32, #tpu.memory_space<vmem>>, vector<16xf32>,
        %get3A_88 = arith.index_cast %scan3A_67 : i32 to index
        %get3A_89 = arith.constant 48 : index
        %get3A_90 = tpu.vector_load %arg10[%get3A_88, %get3A_89] {strides = array<i32>} : memref<128x128xf32, #tpu.memory_space<vmem>>, vector<16xf32>,
        %mul3A_91 = arith.mulf %get3A_90, %gather3A : vector<16xf32>
        %swap3A_92 = arith.index_cast %scan3A_67 : i32 to index
        %swap3A_93 = arith.constant 48 : index
        %swap3A_94 = tpu.vector_load %arg10[%swap3A_92, %swap3A_93] {strides = array<i32>} : memref<128x128xf32, #tpu.memory_space<vmem>>, vector<16xf32>,
        tpu.vector_store %arg10[%swap3A_92, %swap3A_93], %mul3A_91 {strides = array<i32>} : memref<128x128xf32, #tpu.memory_space<vmem>>, vector<16xf32>,
        %get3A_95 = arith.index_cast %scan3A_67 : i32 to index
        %get3A_96 = arith.constant 64 : index
        %get3A_97 = tpu.vector_load %arg10[%get3A_95, %get3A_96] {strides = array<i32>} : memref<128x128xf32, #tpu.memory_space<vmem>>, vector<16xf32>,
        %mul3A_98 = arith.mulf %get3A_97, %gather3A : vector<16xf32>
        %swap3A_99 = arith.index_cast %scan3A_67 : i32 to index
        %swap3A_100 = arith.constant 64 : index
        %swap3A_101 = tpu.vector_load %arg10[%swap3A_99, %swap3A_100] {strides = array<i32>} : memref<128x128xf32, #tpu.memory_space<vmem>>, vector<16xf32>,
        tpu.vector_store %arg10[%swap3A_99, %swap3A_100], %mul3A_98 {strides = array<i32>} : memref<128x128xf32, #tpu.memory_space<vmem>>, vector<16xf32>,
        %get3A_102 = arith.index_cast %scan3A_67 : i32 to index
        %get3A_103 = arith.constant 80 : index
        %get3A_104 = tpu.vector_load %arg10[%get3A_102, %get3A_103] {strides = array<i32>} : memref<128x128xf32, #tpu.memory_space<vmem>>, vector<16xf32>,
        %mul3A_105 = arith.mulf %get3A_104, %gather3A : vector<16xf32>
        %swap3A_106 = arith.index_cast %scan3A_67 : i32 to index
        %swap3A_107 = arith.constant 80 : index
        %swap3A_108 = tpu.vector_load %arg10[%swap3A_106, %swap3A_107] {strides = array<i32>} : memref<128x128xf32, #tpu.memory_space<vmem>>, vector<16xf32>,
        tpu.vector_store %arg10[%swap3A_106, %swap3A_107], %mul3A_105 {strides = array<i32>} : memref<128x128xf32, #tpu.memory_space<vmem>>, vector<16xf32>,
        %get3A_109 = arith.index_cast %scan3A_67 : i32 to index
        %get3A_110 = arith.constant 96 : index
        %get3A_111 = tpu.vector_load %arg10[%get3A_109, %get3A_110] {strides = array<i32>} : memref<128x128xf32, #tpu.memory_space<vmem>>, vector<16xf32>,
        %mul3A_112 = arith.mulf %get3A_111, %gather3A : vector<16xf32>
        %swap3A_113 = arith.index_cast %scan3A_67 : i32 to index
        %swap3A_114 = arith.constant 96 : index
        %swap3A_115 = tpu.vector_load %arg10[%swap3A_113, %swap3A_114] {strides = array<i32>} : memref<128x128xf32, #tpu.memory_space<vmem>>, vector<16xf32>,
        tpu.vector_store %arg10[%swap3A_113, %swap3A_114], %mul3A_112 {strides = array<i32>} : memref<128x128xf32, #tpu.memory_space<vmem>>, vector<16xf32>,
        %get3A_116 = arith.index_cast %scan3A_67 : i32 to index
        %get3A_117 = arith.constant 112 : index
        %get3A_118 = tpu.vector_load %arg10[%get3A_116, %get3A_117] {strides = array<i32>} : memref<128x128xf32, #tpu.memory_space<vmem>>, vector<16xf32>,
        %mul3A_119 = arith.mulf %get3A_118, %gather3A : vector<16xf32>
        %swap3A_120 = arith.index_cast %scan3A_67 : i32 to index
        %swap3A_121 = arith.constant 112 : index
        %swap3A_122 = tpu.vector_load %arg10[%swap3A_120, %swap3A_121] {strides = array<i32>} : memref<128x128xf32, #tpu.memory_space<vmem>>, vector<16xf32>,
        tpu.vector_store %arg10[%swap3A_120, %swap3A_121], %mul3A_119 {strides = array<i32>} : memref<128x128xf32, #tpu.memory_space<vmem>>, vector<16xf32>,
      }
      %scan3A_66 = arith.constant 128 : i32
      "tpu.region"() ({
        %run_scoped3A = tpu.sem_alloc : memref<!tpu.dma_semaphore, #tpu.memory_space<semaphore_mem>>
        %dma_start3A_67 = arith.constant 0 : i32
        %dma_start3A_68 = arith.constant 0 : i32
        %dma_start3A_69 = tpu.memref_slice %arg11[%dma_start3A_67, %dma_start3A_68] : memref<10240x128xf32, #tpu.memory_space<vmem_shared>> -> memref<10240x128xf32, #tpu.memory_space<vmem_shared>>
        tpu.enqueue_indirect_dma source(%arg10 : memref<128x128xf32, #tpu.memory_space<vmem>>) target(%dma_start3A_69 : memref<10240x128xf32, #tpu.memory_space<vmem_shared>>) offsets(%arg8 : memref<128xi32, #tpu.memory_space<vmem>>) semaphore(%run_scoped3A : memref<!tpu.dma_semaphore, #tpu.memory_space<semaphore_mem>>) {add = true}
        %dma_wait3A_70 = arith.constant 0 : i32
        %dma_wait3A_71 = arith.constant 0 : i32
        %dma_wait3A_72 = tpu.memref_slice %arg11[%dma_wait3A_70, %dma_wait3A_71] : memref<10240x128xf32, #tpu.memory_space<vmem_shared>> -> memref<10240x128xf32, #tpu.memory_space<vmem_shared>>
        tpu.wait_indirect_dma semaphore(%run_scoped3A : memref<!tpu.dma_semaphore, #tpu.memory_space<semaphore_mem>>) src(%arg10 : memref<128x128xf32, #tpu.memory_space<vmem>>) dst(%dma_wait3A_72 : memref<10240x128xf32, #tpu.memory_space<vmem_shared>>)
        tpu.yield
      }) : () -> ()
    }
    %barrier3A_50 = arith.constant 0 : index
    tpu.barrier barrier_id(%barrier3A_50)
    "tpu.region"() ({
      %run_scoped3A = tpu.sem_alloc : memref<!tpu.dma_semaphore, #tpu.memory_space<semaphore_mem>>
      %dma_start3A = arith.constant 0 : i32
      %dma_start3A_51 = tpu.memref_slice %arg6[%arg0, %mul3A_8, %dma_start3A] : memref<2x10240x128xf32, #tpu.memory_space<hbm>> -> memref<1x640x128xf32, #tpu.memory_space<hbm>>
      %dma_start3A_52 = tpu.memref_squeeze %dma_start3A_51 : memref<1x640x128xf32, #tpu.memory_space<hbm>> -> memref<640x128xf32, #tpu.memory_space<hbm>>
      %dma_start3A_53 = arith.constant 0 : i32
      %dma_start3A_54 = tpu.memref_slice %arg11[%mul3A_8, %dma_start3A_53] : memref<10240x128xf32, #tpu.memory_space<vmem_shared>> -> memref<640x128xf32, #tpu.memory_space<vmem_shared>>
      tpu.enqueue_dma source(%dma_start3A_54 : memref<640x128xf32, #tpu.memory_space<vmem_shared>>) target(%dma_start3A_52 : memref<640x128xf32, #tpu.memory_space<hbm>>) target_semaphore(%run_scoped3A : memref<!tpu.dma_semaphore, #tpu.memory_space<semaphore_mem>>)
      %dma_wait3A = arith.constant 0 : i32
      %dma_wait3A_55 = tpu.memref_slice %arg6[%arg0, %mul3A_8, %dma_wait3A] : memref<2x10240x128xf32, #tpu.memory_space<hbm>> -> memref<1x640x128xf32, #tpu.memory_space<hbm>>
      %dma_wait3A_56 = tpu.memref_squeeze %dma_wait3A_55 : memref<1x640x128xf32, #tpu.memory_space<hbm>> -> memref<640x128xf32, #tpu.memory_space<hbm>>
      %dma_wait3A_57 = arith.constant 0 : i32
      %dma_wait3A_58 = tpu.memref_slice %arg11[%mul3A_8, %dma_wait3A_57] : memref<10240x128xf32, #tpu.memory_space<vmem_shared>> -> memref<640x128xf32, #tpu.memory_space<vmem_shared>>
      tpu.wait_dma2 semaphore(%run_scoped3A : memref<!tpu.dma_semaphore, #tpu.memory_space<semaphore_mem>>) src(%dma_wait3A_58 : memref<640x128xf32, #tpu.memory_space<vmem_shared>>) dst(%dma_wait3A_56 : memref<640x128xf32, #tpu.memory_space<hbm>>)
      tpu.yield
    }) : () -> ()
    return
  }
}

module attributes {stable_mosaic.version = 14 : i64} {
  func.func @_tc_finish_body(%arg0: i32, %arg1: memref<400x128xf32, #tpu.memory_space<vmem>>, %arg2: memref<400x128xf32, #tpu.memory_space<vmem>>, %arg3: memref<128x128xf32, #tpu.memory_space<vmem>>, %arg4: memref<1x128xf32, #tpu.memory_space<vmem>>, %arg5: memref<400x128xf32, #tpu.memory_space<vmem>>) attributes {dimension_semantics = [#tpu.dimension_semantics<arbitrary>], iteration_bounds = array<i64: 25>, scalar_prefetch = 0 : i64, scratch_operands = 0 : i64, tpu.core_type = #tpu.core_type<tc>, window_params = [{transform_indices = @transform_0, window_bounds = array<i64: 400, 128>}, {transform_indices = @transform_1, window_bounds = array<i64: 400, 128>}, {pipeline_mode = #tpu.pipeline_mode<synchronous>, transform_indices = @transform_2, window_bounds = array<i64: 128, 128>}, {pipeline_mode = #tpu.pipeline_mode<synchronous>, transform_indices = @transform_3, window_bounds = array<i64: 1, 128>}, {transform_indices = @transform_4, window_bounds = array<i64: 400, 128>}]} {
    %get3A = arith.constant 0 : index
    %get3A_0 = arith.constant 0 : index
    %get3A_1 = vector.load %arg1[%get3A, %get3A_0] : memref<400x128xf32, #tpu.memory_space<vmem>>, vector<400x128xf32>
    %get3A_2 = arith.constant 0 : index
    %get3A_3 = arith.constant 0 : index
    %get3A_4 = vector.load %arg2[%get3A_2, %get3A_3] : memref<400x128xf32, #tpu.memory_space<vmem>>, vector<400x128xf32>
    %add3A = arith.addf %get3A_1, %get3A_4 : vector<400x128xf32>
    %get3A_5 = arith.constant 0 : index
    %get3A_6 = arith.constant 0 : index
    %get3A_7 = vector.load %arg3[%get3A_5, %get3A_6] : memref<128x128xf32, #tpu.memory_space<vmem>>, vector<128x128xf32>
    %dot_general3A = arith.constant dense<0.000000e+00> : vector<400x128xf32>
    %dot_general3A_8 = tpu.matmul %add3A, %get3A_7, %dot_general3A {dimension_numbers = #tpu.dot_dimension_numbers<[1], [0], [0], [1], [0, 0, 1, 1], [], []>, transpose_lhs_hint = false} : vector<400x128xf32>, vector<128x128xf32>, vector<400x128xf32> -> vector<400x128xf32>
    %get3A_9 = arith.constant 0 : index
    %get3A_10 = arith.constant 0 : index
    %get3A_11 = vector.load %arg4[%get3A_9, %get3A_10] : memref<1x128xf32, #tpu.memory_space<vmem>>, vector<1x128xf32>
    %add3A_12 = vector.broadcast %get3A_11 : vector<1x128xf32> to vector<400x128xf32>
    %add3A_13 = arith.addf %dot_general3A_8, %add3A_12 : vector<400x128xf32>
    %reduce_max3A = arith.constant dense<0xFF800000> : vector<400xf32>
    %reduce_max3A_14 = vector.multi_reduction <maximumf>, %add3A_13, %reduce_max3A [1] : vector<400x128xf32> to vector<400xf32>
    %broadcast_in_dim3A = vector.shape_cast %reduce_max3A_14 : vector<400xf32> to vector<400x1xf32>
    %sub3A = vector.broadcast %broadcast_in_dim3A : vector<400x1xf32> to vector<400x128xf32>
    %sub3A_15 = arith.subf %add3A_13, %sub3A : vector<400x128xf32>
    %exp3A = math.exp %sub3A_15 : vector<400x128xf32>
    %reduce_sum3A = arith.constant dense<0.000000e+00> : vector<400xf32>
    %reduce_sum3A_16 = vector.multi_reduction <add>, %exp3A, %reduce_sum3A [1] : vector<400x128xf32> to vector<400xf32>
    %broadcast_in_dim3A_17 = vector.shape_cast %reduce_sum3A_16 : vector<400xf32> to vector<400x1xf32>
    %sub3A_18 = vector.broadcast %broadcast_in_dim3A : vector<400x1xf32> to vector<400x128xf32>
    %sub3A_19 = arith.subf %add3A_13, %sub3A_18 : vector<400x128xf32>
    %log3A = math.log %broadcast_in_dim3A_17 : vector<400x1xf32>
    %sub3A_20 = vector.broadcast %log3A : vector<400x1xf32> to vector<400x128xf32>
    %sub3A_21 = arith.subf %sub3A_19, %sub3A_20 : vector<400x128xf32>
    %swap3A = arith.constant 0 : index
    %swap3A_22 = arith.constant 0 : index
    %swap3A_23 = vector.load %arg5[%swap3A, %swap3A_22] : memref<400x128xf32, #tpu.memory_space<vmem>>, vector<400x128xf32>
    tpu.vector_store %arg5[%swap3A, %swap3A_22], %sub3A_21 {strides = array<i32>} : memref<400x128xf32, #tpu.memory_space<vmem>>, vector<400x128xf32>,
    return
  }
  func.func @transform_0(%arg0: i32) -> (i32, i32) {
    %c0_i32 = arith.constant 0 : i32
    %c0_i32_0 = arith.constant 0 : i32
    return %arg0, %c0_i32 : i32, i32
  }
  func.func @transform_1(%arg0: i32) -> (i32, i32) {
    %c0_i32 = arith.constant 0 : i32
    %c0_i32_0 = arith.constant 0 : i32
    return %arg0, %c0_i32 : i32, i32
  }
  func.func @transform_2(%arg0: i32) -> (i32, i32) {
    %c0_i32 = arith.constant 0 : i32
    %c0_i32_0 = arith.constant 0 : i32
    %c0_i32_1 = arith.constant 0 : i32
    return %c0_i32, %c0_i32_0 : i32, i32
  }
  func.func @transform_3(%arg0: i32) -> (i32, i32) {
    %c0_i32 = arith.constant 0 : i32
    %c0_i32_0 = arith.constant 0 : i32
    %c0_i32_1 = arith.constant 0 : i32
    return %c0_i32, %c0_i32_0 : i32, i32
  }
  func.func @transform_4(%arg0: i32) -> (i32, i32) {
    %c0_i32 = arith.constant 0 : i32
    %c0_i32_0 = arith.constant 0 : i32
    return %arg0, %c0_i32 : i32, i32
  }
}

</mosaic_0001>

<sc_bundles>
// kernel: kernel.4.cloned.1.call-start
scs
__scs_entry_jumppad:
0x0: {  	(pc) =	sbr.rel $0x88, $3  }
0x1: {  	(tag) =	ssettag $0x0;
	lr =	simm.s32 $0x1  }
0x2: {  	[smem:$0x3F9C] =	sst lr;
	_ =	strace $0xD0000000  }
0x3: {  	_ = 	snop  }
0x4: {  	_ = 	snop  }
0x5: {  	_ = 	snop  }
0x6: {  	_ = 	snop  }
0x7: {  	_ = 	snop  }
__scs_overlays_trampoline_lowered:
0x8: {  	[smem:$0x3FAB] =	sst s0  }
0x9: {  	[smem:$0x3FAC] =	sst s1  }
0xa: {  	[smem:$0x3FAD] =	sst s2  }
0xb: {  	[smem:$0x3FAE] =	sst s3  }
0xc: {  	[smem:$0x3FAF] =	sst s4  }
0xd: {  	[smem:$0x3FB0] =	sst s5  }
0xe: {  	[smem:$0x3FB1] =	sst s6  }
0xf: {  	[smem:$0x3FB2] =	sst s7  }
0x10: {  	[smem:$0x3FB3] =	sst s8  }
0x11: {  	[smem:$0x3FB4] =	sst s9;
	s0 =	simm.s32 @!p0 $0x0  }
0x12: {  	s1 =	sld [smem:$0x3F9A];
	s0 =	simm.s32 @p0 $0x1  }
0x13: {  	[smem:$0x3FB5] =	sst s0;
	s0 =	simm.s32 @!p1 $0x0  }
0x14: {  	s2 =	sld [smem:$0x3F99];
	s0 =	simm.s32 @p1 $0x1  }
0x15: {  	[smem:$0x3FB6] =	sst s0;
	s0 =	simm.s32 @!p2 $0x0  }
0x16: {  	s3 =	sld [smem:$0x3FDB];
	s0 =	simm.s32 @p2 $0x1  }
0x17: {  	s4 =	simm.s32 $0x1BF5;
	[smem:$0x3FB8] =	sst s0  }
0x18: {  	s0 =	sld [smem:$0x3F9B];
	_ =	swait.ge [sflag:s4], $0x0  }
0x19: {  	s7 =	sld [smem:$0x3F9C]  }
0x1a: {  	s8 =	sadd.s32 $0xFFFFE003, lr  }
0x1b: {  	s9 =	sadd.s32 $0xFFFFFEF7, lr;
	s5 =	simm.s32 $0xFFFFFFFF;
	p2 =	slt.u32 s8, $0xFFFFF086  }
0x1c: {  	p1 =	slt.u32 s9, $0xF7A;
	s5 =	simm.s32 @!p2 $0x0  }
0x1d: {  	s5 =	simm.s32 @p1 $0x1;
	p0 =	seq.s32 s7, s2  }
0x1e: {  	s7 =	smul.u32 @!p0 $0xF7A, s2;
	p2 =	seq.s32 @!p0 s5, $0x0  }
0x1f: {  	s9 =	smul.u32 $0xF7A, s1;
	s8 =	simm.s32 @!p0 $0x1BF5;
	p2 =	por !p2, p0  }
0x20: {  	[sflag:s8] =	ssyncset.s32 @!p0 $0xFFFFF086;
	s6 =	sadd.s32 @!p0 s3, s7;
	s7 =	simm.s32 @!p0 $0x108  }
0x21: {  	s3 =	sadd.s32 s3, s9;
	s6 =	sadd.s32 @!p0 $0x88, s6;
	s7 =	simm.s32 @p2 $0x1082  }
0x22: {  	[simem:s7], [sflag:s8] =	dma.local @!p0 [hbm:s6], $0xF7A  }
0x23: {  	s9 =	sor.u32 $0xD0000000, s2;
	s6 =	simm.s32 $0x108;
	_ =	swait.ge @!p0 [sflag:s8], $0x0  }
0x24: {  	s3 =	sadd.s32 $0x88, s3;
	s6 =	simm.s32 @!p1 $0x1082;
	[sflag:s4] =	ssyncset.s32 $0xFFFFF086  }
0x25: {  	[simem:s6], [sflag:s4] =	dma.local [hbm:s3], $0xF7A  }
0x26: {  	[smem:$0x3F9C] =	sst s1;
	(tag) =	ssettag s2;
	_ =	strace s9  }
0x27: {  	s1 =	sld [smem:$0x3FAC]  }
0x28: {  	s2 =	sld [smem:$0x3FAD]  }
0x29: {  	s4 =	sld [smem:$0x3FAF]  }
0x2a: {  	p0 =	seq.s32 s5, $0x0;
	s5 =	sld [smem:$0x3FB0]  }
0x2b: {  	s6 =	sld [smem:$0x3FB1]  }
0x2c: {  	s7 =	sld [smem:$0x3FB2]  }
0x2d: {  	s3 =	simm.s32 $0x108;
	s8 =	sld [smem:$0x3FB3]  }
0x2e: {  	s3 =	simm.s32 @!p0 $0x1082;
	s9 =	sld [smem:$0x3FB4]  }
0x2f: {  	lr =	sadd.s32 s0, s3;
	s0 =	sld [smem:$0x3FAB]  }
0x30: {  	s3 =	sld [smem:$0x3FAE]  }
0x31: {  	[smem:$0x3FB7] =	sst s10  }
0x32: {  	s10 =	sld [smem:$0x3FB5];
	_ =	sdelay $0x3  }
0x33: {  	p0 =	seq.s32 s10, $0x1;
	s10 =	sld [smem:$0x3FB7];
	_ =	sdelay $0x3  }
0x34: {  	[smem:$0x3FB7] =	sst s10  }
0x35: {  	s10 =	sld [smem:$0x3FB6];
	_ =	sdelay $0x3  }
0x36: {  	p1 =	seq.s32 s10, $0x1;
	s10 =	sld [smem:$0x3FB7];
	_ =	sdelay $0x3  }
0x37: {  	[smem:$0x3FB7] =	sst s10  }
0x38: {  	s10 =	sld [smem:$0x3FB8]  }
0x39: {  	_ = 	snop;
	(pc) =	sbr.ind lr, $3  }
0x3a: {  	_ = 	snop  }
0x3b: {  	_ = 	snop  }
0x3c: {  	p2 =	seq.s32 s10, $0x1;
	s10 =	sld [smem:$0x3FB7]  }
0x3d: {  	_ =	shalt  }
0x3e: {  	_ =	shalt  }
0x3f: {  	_ =	shalt  }
0x40: {  	_ =	shalt  }
0x41: {  	_ =	shalt  }
0x42: {  	_ =	shalt  }
0x43: {  	_ =	shalt  }
0x44: {  	_ =	shalt  }
0x45: {  	_ =	shalt  }
0x46: {  	_ =	shalt  }
0x47: {  	_ =	shalt  }
0x48: {  	_ =	shalt  }
0x49: {  	_ =	shalt  }
0x4a: {  	_ =	shalt  }
0x4b: {  	_ =	shalt  }
0x4c: {  	_ =	shalt  }
0x4d: {  	_ =	shalt  }
0x4e: {  	_ =	shalt  }
0x4f: {  	_ =	shalt  }
0x50: {  	_ =	shalt  }
0x51: {  	_ =	shalt  }
0x52: {  	_ =	shalt  }
0x53: {  	_ =	shalt  }
0x54: {  	_ =	shalt  }
0x55: {  	_ =	shalt  }
0x56: {  	_ =	shalt  }
0x57: {  	_ =	shalt  }
0x58: {  	_ =	shalt  }
0x59: {  	_ =	shalt  }
0x5a: {  	_ =	shalt  }
0x5b: {  	_ =	shalt  }
0x5c: {  	_ =	shalt  }
0x5d: {  	_ =	shalt  }
0x5e: {  	_ =	shalt  }
0x5f: {  	_ =	shalt  }
0x60: {  	_ =	shalt  }
0x61: {  	_ =	shalt  }
0x62: {  	_ =	shalt  }
0x63: {  	_ =	shalt  }
0x64: {  	_ =	shalt  }
0x65: {  	_ =	shalt  }
0x66: {  	_ =	shalt  }
0x67: {  	_ =	shalt  }
0x68: {  	_ =	shalt  }
0x69: {  	_ =	shalt  }
0x6a: {  	_ =	shalt  }
0x6b: {  	_ =	shalt  }
0x6c: {  	_ =	shalt  }
0x6d: {  	_ =	shalt  }
0x6e: {  	_ =	shalt  }
0x6f: {  	_ =	shalt  }
0x70: {  	_ =	shalt  }
0x71: {  	_ =	shalt  }
0x72: {  	_ =	shalt  }
0x73: {  	_ =	shalt  }
0x74: {  	_ =	shalt  }
0x75: {  	_ =	shalt  }
0x76: {  	_ =	shalt  }
0x77: {  	_ =	shalt  }
0x78: {  	_ =	shalt  }
0x79: {  	_ =	shalt  }
0x7a: {  	_ =	shalt  }
0x7b: {  	_ =	shalt  }
0x7c: {  	_ =	shalt  }
0x7d: {  	_ =	shalt  }
0x7e: {  	_ =	shalt  }
0x7f: {  	_ =	shalt  }
0x80: {  	_ =	shalt  }
0x81: {  	_ =	shalt  }
0x82: {  	_ =	shalt  }
0x83: {  	_ =	shalt  }
0x84: {  	_ =	shalt  }
0x85: {  	_ =	shalt  }
0x86: {  	_ =	shalt  }
0x87: {  	_ =	shalt  }
.Lfunc_end0:
.L_simem_size_0:
called_computation_lowered:
.L_overlay_start_0:
0x88: {  	s2 =	sld [smem:$0x3FD9]  }
0x89: {  	s3 =	sld [smem:$0x3FFE];
	_ =	sdelay $0x1  }
0x8a: {  	s1 =	srdreg.scid  }
0x8b: {  	s0 =	sand.u32 $0x1, s1  }
0x8c: {  	s17 =	sshll.u32 s0, $0xA;
	s2 =	sadd.s32 s3, s2  }
0x8d: {  	s2 =	sadd.s32 s2, s17  }
0x8e: {  	[smem:$0x3FC3] =	sst s2  }
0x8f: {  	_ = 	snop  }
0x90: {  	s2 =	sld [smem:$0x3FC8]  }
0x91: {  	s18 =	sld [smem:$0x3FC7]  }
0x92: {  	s4 =	sld [smem:$0x3FD0];
	(tm) =	ssettm $0x1  }
0x93: {  	s5 =	sld [smem:$0x3FFB];
	_ =	sdelay $0x3  }
0x94: {  	_ =	strace s5  }
0x95: {  	s5 =	sld [smem:$0x3FFC];
	_ =	sdelay $0x3  }
0x96: {  	_ =	strace s5  }
0x97: {  	s5 =	sld [smem:$0x3FFD];
	_ =	sdelay $0x3  }
0x98: {  	_ =	strace s5  }
0x99: {  	_ =	strace $0x8FFFFFFF  }
0x9a: {  	s19 =	sld [smem:$0x3FDB];
	_ =	sdelay $0x1  }
0x9b: {  	s6 =	simm.s32 $_scs_section_size  }
0x9c: {  	s7 =	simm.s32 $_size__tile_overlayer_lowered;
	s8 =	simm.s32 $_tile_overlayer_lowered  }
0x9d: {  	s22 =	simm.s32 $0x1BFF;
	s21 =	sshll.u32 s8, $0x1;
	s5 =	sadd.s32 s6, s19  }
0x9e: {  	s9 =	simm.s32 $0x0;
	s20 =	sshll.u32 s7, $0x1;
	s7 =	sadd.s32 s21, s5  }
0x9f: {  	[timem:s9], [sflag:s22] =	dma.local [hbm:s7], s20  }
0xa0: {  	_ =	swait.ge [sflag:s22], s20  }
0xa1: {  	s6 =	ssub.s32 $0x0, s20;
	[sflag:s22] =	ssyncset.done $0x0  }
0xa2: {  	[sflag:s22] =	ssyncadd.s32 s6;
	_ =	sdelay $0x1  }
0xa3: {  	s23 =	simm.s32 $0x1B8B  }
0xa4: {  	_ =	swait.ge [sflag:s23], $0x1  }
0xa5: {  	[sflag:s23] =	ssyncset.done $0x0  }
0xa6: {  	s25 =	simm.s32 $0x1B8E;
	s24 =	sld [smem:$0x3FFE];
	[sflag:s23] =	ssyncadd.s32 $0xFFFFFFFF  }
0xa7: {  	s26 =	simm.s32 $execute0_lowered;
	[smem:$0x3FD2] =	sst s25  }
0xa8: {  	s7 =	sshll.u32 s26, $0x1;
	_ =	strace $0x80000046;
	[dreg:$0x1] =	wrdreg $0xFFFFFFFF  }
0xa9: {  	s28 =	simm.s32 $_size_execute0_lowered;
	s5 =	sadd.s32 s5, s7;
	[dreg:$0x0] =	wrdreg $0x0  }
0xaa: {  	s7 =	sshll.u32 s28, $0x1;
	[dreg:$0x2] =	wrdreg s5  }
0xab: {  	[dreg:$0x3] =	wrdreg s7  }
0xac: {  	[dreg:$0x4] =	wrdreg $0xC0  }
0xad: {  	_ =	task [dreg:s9], $0x5FFFF  }
0xae: {  	[dreg:$0x1] =	wrdreg $0xFFFFFFFF  }
0xaf: {  	[dreg:$0x0] =	wrdreg $0x60  }
0xb0: {  	[dreg:$0x2] =	wrdreg s24  }
0xb1: {  	[dreg:$0x3] =	wrdreg s4  }
0xb2: {  	[dreg:$0x4] =	wrdreg s18  }
0xb3: {  	[dreg:$0x5] =	wrdreg s2  }
0xb4: {  	[dreg:$0x6] =	wrdreg $0x41800  }
0xb5: {  	[dreg:$0x7] =	wrdreg $0x9  }
0xb6: {  	_ =	task.clear_ibuf [dreg:s9], $0x8FFFF;
	_ =	strace $0x90000046  }
0xb7: {  	s29 =	simm.s32 $0x9;
	_ =	strace $0x80000048  }
0xb8: {  	_ =	swait.ge [sflag:s29], $0x1  }
0xb9: {  	[sflag:s29] =	ssyncadd.s32 $0xFFFFFFFF  }
0xba: {  	_ =	strace $0x90000048  }
0xbb: {  	_ =	sfence  }
0xbc: {  	s30 =	sld [smem:$0x0];
	_ =	sdelay $0x2  }
0xbd: {  	s31 =	sshll.u32 s1, $0xD;
	s1 =	sshrl.u32 s1, $0x2  }
0xbe: {  	s3 =	sand.u32 $0x4000, s31;
	s1 =	sadd.s32 s1, s30  }
0xbf: {  	s0 =	sor.u32 s3, s0;
	s1 =	sshll.u32 s1, $0x11  }
0xc0: {  	s0 =	sor.u32 s1, s0  }
0xc1: {  	s0 =	sadd.s32 $0x8F2B, s0  }
0xc2: {  	[sflag:s0] =	ssyncadd.remote.s32 $0x1  }
0xc3: {  	_ =	sfence.sel $0xFFFF  }
0xc4: {  	[dreg:$0x0] =	wrdreg $0xFFFFFFFF;
	(pc) =	sbr.abs _section_cstart, $3  }
0xc5: {  	[dreg:$0x1] =	wrdreg $0xFFFFFFFF  }
0xc6: {  	_ =	task.clear_ibuf [dreg:s9], $0x2FFFF;
	_ =	strace $0x9FFFFFFF  }
0xc7: {  	(tm) =	ssettm $0x7FFFFFFF  }
tec
execute0_lowered:
.L_overlay_start_1:
0x0: {  	(tag) =	ssettag $0x1  }
0x1: {  	s8 =	rddreg [dreg:$0x0]  }
0x2: {  	s0 =	rddreg [dreg:$0x1]  }
0x3: {  	s1 =	rddreg [dreg:$0x2]  }
0x4: {  	s4 =	rddreg [dreg:$0x3];
	s2 =	srdreg.scid  }
0x5: {  	s5 =	rddreg [dreg:$0x4];
	s3 =	stileid.u32  }
0x6: {  	s6 =	simm.s32 $0x0;
	s17 =	simm.s32 $0x180;
	s18 =	simm.s32 $0x2  }
0x7: {  	s19 =	simm.s32 $0x80;
	s20 =	simm.s32 $0x100;
	s21 =	simm.s32 $0x1  }
0x8: {  	s9 =	sand.u32 $0x1, s2;
	s2 =	rddreg [dreg:$0x5];
	s10 =	smul.u32 $0x14000, s3  }
0x9: {  	[smem:$0x7FF] =	sst s6;
	s11 =	smul.u32 $0x50000, s3;
	s31 =	sshll.u32 s3, $0x1  }
0xa: {  	s7 =	smul.u32 $0x140000, s9;
	_ =	strace $0x80000047;
	s12 =	ssub.s32 $0x2, s9  }
0xb: {  	s13 =	sor.u32 s9, s31;
	s29 =	sshrl.u32 s12, $0x1;
	s30 =	sshrl.u32 s11, $0x2  }
0xc: {  	s15 =	ssub.s32 $0x9E3, s13;
	s13 =	sshll.u32 s13, $0x7;
	s10 =	sadd.s32 s10, s7  }
0xd: {  	s7 =	sadd.s32 $0x200, s8;
	s16 =	ssub.s32 s12, s29;
	s10 =	sshrl.u32 s10, $0x3  }
0xe: {  	s15 =	sshrl.u32 s15, $0x5;
	s14 =	sadd.s32 s10, s8;
	s8 =	sadd.s32 s30, s5  }
0xf: {  	s16 =	smax.u32 s16, $0x1;
	s9 =	sadd.s32 $0x4000, s8;
	s10 =	sadd.s32 $0x8000, s8  }
0x10: {  	v0 =	vimm.f32 $0.0e+00;
	s11 =	sadd.s32 $0xC000, s8;
	s12 =	sadd.s32 $0x10000, s8;
	s14 =	sadd.s32 $0xA000, s14  }
.LBB2_1:
0x11: {  	s22 =	simm.s32 $0x0;
	s23 =	simm.s32 $0x200  }
.LBB2_2:
0x12: {  	p0 =	sne.s32 s23, $0xFE00;
	[tilespmem:s22+$0x1F0] =	vst v0  }
0x13: {  	[tilespmem:s22+$0x180] =	vst v0  }
0x14: {  	[tilespmem:s22+$0x190] =	vst v0  }
.Ltmp0:
0x15: {  	[tilespmem:s22+$0x1A0] =	vst v0;
	(pc) =	sbr.rel @p0 .LBB2_2-.Ltmp0, $4  }
0x16: {  	[tilespmem:s22+$0x1B0] =	vst v0  }
0x17: {  	[tilespmem:s22+$0x1C0] =	vst v0  }
0x18: {  	[tilespmem:s22+$0x1D0] =	vst v0  }
0x19: {  	[tilespmem:s22+$0x1E0] =	vst v0;
	s22 =	sshra.s32 s23, $0x2;
	s23 =	sadd.s32 $0x200, s23  }
0x1a: {  	[tilespmem:s22+$0x1F0] =	vst v0  }
0x1b: {  	[tilespmem:s22+$0x180] =	vst v0  }
0x1c: {  	[tilespmem:s22+$0x190] =	vst v0  }
0x1d: {  	[tilespmem:s22+$0x1A0] =	vst v0  }
0x1e: {  	[tilespmem:s22+$0x1B0] =	vst v0  }
0x1f: {  	[tilespmem:s22+$0x1C0] =	vst v0  }
0x20: {  	[tilespmem:s22+$0x1D0] =	vst v0  }
0x21: {  	[tilespmem:s22+$0x1E0] =	vst v0  }
0x22: {  	[spmem:s8] =	stream.linear.scatter [tilespmem:s17], [sflag:$0x2], $0x4000, $0x38;
	[tilespmem:$0x18180] =	vst v63  }
0x23: {  	_ =	swait.ge [sflag:s18], $0x4000  }
0x24: {  	[sflag:s18] =	ssyncset.done $0x0  }
0x25: {  	[sflag:s18] =	ssyncadd.s32 $0xFFFFC000  }
0x26: {  	[spmem:s9] =	stream.linear.scatter [tilespmem:s17], [sflag:$0x2], $0x4000, $0x38;
	[tilespmem:$0x18180] =	vst v63  }
0x27: {  	_ =	swait.ge [sflag:s18], $0x4000  }
0x28: {  	[sflag:s18] =	ssyncset.done $0x0  }
0x29: {  	[sflag:s18] =	ssyncadd.s32 $0xFFFFC000  }
0x2a: {  	[spmem:s10] =	stream.linear.scatter [tilespmem:s17], [sflag:$0x2], $0x4000, $0x38;
	[tilespmem:$0x18180] =	vst v63  }
0x2b: {  	_ =	swait.ge [sflag:s18], $0x4000  }
0x2c: {  	[sflag:s18] =	ssyncset.done $0x0  }
0x2d: {  	[sflag:s18] =	ssyncadd.s32 $0xFFFFC000  }
0x2e: {  	[spmem:s11] =	stream.linear.scatter [tilespmem:s17], [sflag:$0x2], $0x4000, $0x38;
	[tilespmem:$0x18180] =	vst v63  }
0x2f: {  	_ =	swait.ge [sflag:s18], $0x4000  }
0x30: {  	[sflag:s18] =	ssyncset.done $0x0  }
0x31: {  	[sflag:s18] =	ssyncadd.s32 $0xFFFFC000  }
0x32: {  	[spmem:s12] =	stream.linear.scatter [tilespmem:s17], [sflag:$0x2], $0x4000, $0x38;
	[tilespmem:$0x18180] =	vst v63  }
0x33: {  	_ =	swait.ge [sflag:s18], $0x4000  }
0x34: {  	[sflag:s18] =	ssyncset.done $0x0  }
0x35: {  	[sflag:s18] =	ssyncadd.s32 $0xFFFFC000  }
0x36: {  	s22 =	simm.s32 $0x0;
	s23 =	simm.s32 $0x0;
	[bflag:$0x0] =	sbarrier.arrive $0xFFFF  }
.LBB2_4:
0x37: {  	s24 =	sshll.u32 s23, $0xC  }
0x38: {  	s24 =	sor.u32 s13, s24  }
0x39: {  	s24 =	sshrl.u32 s24, $0x3  }
0x3a: {  	s25 =	sadd.s32 s7, s24  }
0x3b: {  	[tilespmem:s22], [sflag:$0x2] =	stream.linear.gather [hbm4b:s25+s22], $0x80, $0x38;
	[tilespmem:$0x18180] =	vst v63  }
0x3c: {  	_ =	swait.ge [sflag:s18], $0x80  }
0x3d: {  	[sflag:s18] =	ssyncset.done $0x0  }
0x3e: {  	s31 =	sadd.s32 s0, s24;
	[sflag:s18] =	ssyncadd.s32 $0xFFFFFF80  }
0x3f: {  	[tilespmem:s19], [sflag:$0x2] =	stream.linear.gather [hbm4b:s31+s22], $0x80, $0x38;
	[tilespmem:$0x18180] =	vst v63  }
0x40: {  	_ =	swait.ge [sflag:s18], $0x80  }
0x41: {  	[sflag:s18] =	ssyncset.done $0x0  }
0x42: {  	s24 =	sadd.s32 s1, s24;
	[sflag:s18] =	ssyncadd.s32 $0xFFFFFF80  }
0x43: {  	[tilespmem:s20], [sflag:$0x2] =	stream.linear.gather [hbm4b:s24+s22], $0x80, $0x38;
	[tilespmem:$0x18180] =	vst v63  }
0x44: {  	_ =	swait.ge [sflag:s18], $0x80  }
0x45: {  	[sflag:s18] =	ssyncset.done $0x0  }
0x46: {  	[sflag:s18] =	ssyncadd.s32 $0xFFFFFF80  }
0x47: {  	[tilespmem:s17], [sflag:$0x1] =	stream.indirect.gather [hbm4b:s4+s19], $0x80, s22, s19, $0xb8;
	[tilespmem:$0x18180] =	vst v63  }
0x48: {  	_ =	swait.ge [sflag:s21], $0x4000  }
0x49: {  	v1 =	vmov s22;
	[sflag:s21] =	ssyncset.done $0x0  }
0x4a: {  	s24 =	simm.s32 $0x1C0;
	[sflag:s21] =	ssyncadd.s32 $0xFFFFC000  }
0x4b: {  	v5 =	vld [tilespmem:s24+$0x30]  }
0x4c: {  	v8 =	vld [tilespmem:s24+$0x10]  }
0x4d: {  	v6 =	vld [tilespmem:s24+$0xFFFFFFC0]  }
0x4e: {  	v2 =	vld.idx.msk [tilespmem:v1+s20+$0x0], $0xffff  }
0x4f: {  	v10 =	vld [tilespmem:s24+$0xFFFFFFE0]  }
0x50: {  	v1 =	vld [tilespmem:s24+$0xFFFFFFF0]  }
0x51: {  	v3 =	vld [tilespmem:s24+$0x20]  }
0x52: {  	v4 =	vld [tilespmem:s24+$0xFFFFFFD0]  }
0x53: {  	v9 =	vmul.f32 v5, v2;
	v5 =	vld [tilespmem:s24+$0x0]  }
0x54: {  	v7 =	vmul.f32 v6, v2  }
0x55: {  	s26 =	simm.s32 $0x1C0;
	s25 =	simm.s32 $0x1;
	v6 =	vmul.f32 v10, v2;
	v8 =	vmul.f32 v8, v2  }
.LBB2_5:
0x56: {  	p0 =	sne.s32 s25, $0x7F  }
0x57: {  	v4 =	vmul.f32 v4, v2;
	v3 =	vmul.f32 v3, v2;
	[tilespmem:s24+$0x30] =	vst v9;
	s26 =	sadd.s32 $0x80, s26;
	s28 =	smov.u32 s25;
	s25 =	sadd.s32 $0x1, s25  }
0x58: {  	[tilespmem:s24+$0xFFFFFFC0] =	vst v7;
	v7 =	vmul.f32 v1, v2;
	v2 =	vmul.f32 v5, v2  }
0x59: {  	[tilespmem:s24+$0x10] =	vst v8  }
0x5a: {  	v5 =	vmov s28;
	[tilespmem:s24+$0xFFFFFFE0] =	vst v6  }
0x5b: {  	v1 =	vld [tilespmem:s26+$0xFFFFFFF0];
	[tilespmem:s24+$0xFFFFFFF0] =	vst v7  }
0x5c: {  	v6 =	vld [tilespmem:s26+$0x30];
	[tilespmem:s24+$0x0] =	vst v2  }
0x5d: {  	v8 =	vld [tilespmem:s26+$0x10];
	[tilespmem:s24+$0x20] =	vst v3  }
0x5e: {  	v7 =	vld [tilespmem:s26+$0xFFFFFFC0];
	[tilespmem:s24+$0xFFFFFFD0] =	vst v4;
	s24 =	smov.u32 s26  }
0x5f: {  	v2 =	vld.idx.msk [tilespmem:v5+s20+$0x0], $0xffff  }
0x60: {  	v10 =	vld [tilespmem:s26+$0xFFFFFFE0]  }
0x61: {  	v3 =	vld [tilespmem:s26+$0x20]  }
.Ltmp1:
0x62: {  	v4 =	vld [tilespmem:s26+$0xFFFFFFD0];
	(pc) =	sbr.rel @p0 .LBB2_5-.Ltmp1, $3  }
0x63: {  	v5 =	vld [tilespmem:s26+$0x0];
	_ =	sdelay $0x1  }
0x64: {  	v7 =	vmul.f32 v7, v2;
	v9 =	vmul.f32 v6, v2  }
0x65: {  	v8 =	vmul.f32 v8, v2;
	v6 =	vmul.f32 v10, v2  }
0x66: {  	[tilespmem:s24+$0x30] =	vst v9  }
0x67: {  	[tilespmem:s24+$0xFFFFFFC0] =	vst v7  }
0x68: {  	v1 =	vmul.f32 v1, v2;
	[tilespmem:s24+$0x10] =	vst v8  }
0x69: {  	v3 =	vmul.f32 v3, v2;
	[tilespmem:s24+$0xFFFFFFE0] =	vst v6  }
0x6a: {  	v5 =	vmul.f32 v5, v2;
	[tilespmem:s24+$0xFFFFFFF0] =	vst v1  }
0x6b: {  	s23 =	sadd.s32 $0x1, s23;
	v1 =	vmul.f32 v4, v2;
	[tilespmem:s24+$0x20] =	vst v3  }
0x6c: {  	p0 =	sne.s32 s23, s15;
	[tilespmem:s24+$0x0] =	vst v5  }
.Ltmp2:
0x6d: {  	[tilespmem:s24+$0xFFFFFFD0] =	vst v1;
	(pc) =	sbr.rel @p0 .LBB2_4-.Ltmp2, $4  }
0x6e: {  	[spmem:s5] =	stream.indirect.scatter.add.f32 [tilespmem:s17], [sflag:$0x2], $0x80, s19, s19, $0xb8;
	[tilespmem:$0x18180] =	vst v63  }
0x6f: {  	_ =	swait.ge [sflag:s18], $0x4000  }
0x70: {  	[sflag:s18] =	ssyncset.done $0x0  }
0x71: {  	[sflag:s18] =	ssyncadd.s32 $0xFFFFC000  }
0x72: {  	s6 =	sadd.s32 $0x1, s6  }
0x73: {  	s22 =	sshll.u32 s3, $0x6;
	[bflag:$0x0] =	sbarrier.arrive $0xFFFF;
	p0 =	sne.s32 s6, s16  }
.Ltmp3:
0x74: {  	s23 =	sshrl.u32 s8, $0x3;
	s22 =	sor.u32 $0x1C02, s22;
	(pc) =	sbr.rel @p0 .LBB2_1-.Ltmp3, $4  }
0x75: {  	[hbm:s14], [sflag:s22] =	dma.local [spmem:s23], $0x2800  }
0x76: {  	_ =	swait.ge [sflag:s18], $0x2800  }
0x77: {  	[sflag:s18] =	ssyncset.done $0x0  }
0x78: {  	[sflag:s18] =	ssyncadd.s32 $0xFFFFD800  }
0x79: {  	_ =	sfence.sel $0x180000  }
0x7a: {  	[bflag:$0x0] =	sbarrier.arrive $0xFFFF  }
0x7b: {  	p0 =	sne.s32 s3, $0x0;
	_ =	strace $0x90000047  }
0x7c: {  	s0 =	sadd.s32 @!p0 $0x100000, s2;
	[bflag:$0x2] =	sbarrier.arrive $0xFFFF  }
0x7d: {  	[sflag:s0] =	ssyncadd.tile.s32 @!p0 $0x1;
	_ =	shalt  }
.Lfunc_end2:
_tile_overlayer_lowered:
.L_overlay_start_2:
0x7e: {  	(tag) =	ssettag $0x2  }
0x7f: {  	s0 =	rddreg [dreg:$0x0];
	s2 =	stileid.u32  }
0x80: {  	s1 =	rddreg [dreg:$0x1];
	p0 =	sne.s32 s2, $0x0  }
0x81: {  	s3 =	rddreg [dreg:$0x2];
	[bflag:$0x3] =	sbarrier.arrive $0xFFFF;
	s2 =	simm.s32 @!p0 $0x1C02  }
0x82: {  	[timem:s3], [sflag:s2] =	dma.local @!p0 [hbm:s0], s1  }
0x83: {  	s0 =	simm.s32 @!p0 $0x2  }
0x84: {  	_ =	swait.ge @!p0 [sflag:s0], s1  }
0x85: {  	s1 =	ssub.s32 @!p0 $0x0, s1;
	[sflag:s0] =	ssyncset.done @!p0 $0x0  }
0x86: {  	[sflag:s0] =	ssyncadd.s32 @!p0 s1  }
0x87: {  	[bflag:$0x3] =	sbarrier.arrive $0xFFFF  }
0x88: {  	_ =	shalt  }

</sc_bundles>
